<compile_context>
chip_gen: v7x
topology: tpu7x:2x2x1
jax: 0.10.2.dev20260603
libtpu: 0.0.44.dev20260713+nightly
codegen_flags: <defaults>
</compile_context>

<pallas_src>
import functools

import jax
import jax.numpy as jnp
from jax import lax
from jax.experimental import pallas as pl
from jax.experimental.pallas import tpu as pltpu
from jax.experimental.pallas import tpu_sc as plsc

_EPS = 1e-5

_NC = 2
_NS = 16
_NW = _NC * _NS

_CH = 40
_G_NCH = 125
_S_NCH = 125


def _ln_relu(z, g, be):
    m = jnp.mean(z, axis=-1, keepdims=True)
    v = jnp.mean((z - m) ** 2, axis=-1, keepdims=True)
    return jnp.maximum((z - m) / jnp.sqrt(v + _EPS) * g + be, 0.0)



def _xa_body(x_ref, w_ref, o_ref):
    o_ref[...] = jnp.dot(x_ref[...], w_ref[...])


def _node_space_matmul(x, w1b):
    n, d = x.shape
    blk = 1000
    return pl.pallas_call(
        _xa_body,
        grid=(n // blk,),
        in_specs=[
            pl.BlockSpec((blk, d), lambda i: (i, 0)),
            pl.BlockSpec((d, d), lambda i: (0, 0)),
        ],
        out_specs=pl.BlockSpec((blk, d), lambda i: (i, 0)),
        out_shape=jax.ShapeDtypeStruct((n, d), jnp.float32),
    )(x, w1b)


def _edge_body(e_ref, xg_ref, w1a, b1, g1, be1, w2, b2, g2, be2,
               w3, b3, g3, be3, o_ref):
    z = jnp.dot(e_ref[...], w1a[...]) + xg_ref[...] + b1[...]
    h = _ln_relu(z, g1[...], be1[...])
    h = _ln_relu(jnp.dot(h, w2[...]) + b2[...], g2[...], be2[...])
    h = _ln_relu(jnp.dot(h, w3[...]) + b3[...], g3[...], be3[...])
    o_ref[...] = h


def _edge_mlp(e, xg, w1a, p1, p2, p3):
    ecount, d = e.shape
    blk = 1280
    row = lambda i: (i, 0)
    zero = lambda i: (0, 0)
    wspec = pl.BlockSpec((d, d), zero)
    vspec = pl.BlockSpec((1, d), zero)
    b1, g1, be1 = p1
    w2, b2, g2, be2 = p2
    w3, b3, g3, be3 = p3
    vecs = [v.reshape(1, d) for v in (b1, g1, be1)]
    vecs2 = [v.reshape(1, d) for v in (b2, g2, be2)]
    vecs3 = [v.reshape(1, d) for v in (b3, g3, be3)]
    return pl.pallas_call(
        _edge_body,
        grid=(ecount // blk,),
        in_specs=[
            pl.BlockSpec((blk, d), row),
            pl.BlockSpec((blk, d), row),
            wspec, vspec, vspec, vspec,
            wspec, vspec, vspec, vspec,
            wspec, vspec, vspec, vspec,
        ],
        out_specs=pl.BlockSpec((blk, d), row),
        out_shape=jax.ShapeDtypeStruct((ecount, d), jnp.float32),
    )(e, xg, w1a, *vecs, w2, *vecs2, w3, *vecs3)


def _node_body(mi_ref, x_ref, v1a, v1b, c1, g1, be1, v2, b2, g2, be2,
               v3, b3, g3, be3, o_ref):
    z = (jnp.dot(mi_ref[...], v1a[...]) + jnp.dot(x_ref[...], v1b[...])
         + c1[...])
    h = _ln_relu(z, g1[...], be1[...])
    h = _ln_relu(jnp.dot(h, v2[...]) + b2[...], g2[...], be2[...])
    h = _ln_relu(jnp.dot(h, v3[...]) + b3[...], g3[...], be3[...])
    o_ref[...] = h


def _node_mlp(mi_pad, x, node_params):
    n, d = x.shape
    blk = 1000
    row = lambda i: (i, 0)
    zero = lambda i: (0, 0)
    wspec = pl.BlockSpec((d, d), zero)
    vspec = pl.BlockSpec((1, d), zero)
    (v1, c1, g1, be1), (v2, b2, g2, be2), (v3, b3, g3, be3) = node_params
    v1a = v1[:d]
    v1b = v1[d:]
    vecs = [t.reshape(1, d) for t in (c1, g1, be1)]
    vecs2 = [t.reshape(1, d) for t in (b2, g2, be2)]
    vecs3 = [t.reshape(1, d) for t in (b3, g3, be3)]
    return pl.pallas_call(
        _node_body,
        grid=(n // blk,),
        in_specs=[
            pl.BlockSpec((blk, d), row),
            pl.BlockSpec((blk, d), row),
            wspec, wspec, vspec, vspec, vspec,
            wspec, vspec, vspec, vspec,
            wspec, vspec, vspec, vspec,
        ],
        out_specs=pl.BlockSpec((blk, d), row),
        out_shape=jax.ShapeDtypeStruct((n, d), jnp.float32),
    )(mi_pad, x, v1a, v1b, *vecs, v2, *vecs2, v3, *vecs3)



def _sc_gather(table, idx3):
    nw, nch, ch = idx3.shape
    n, d = table.shape
    ecount = nw * nch * ch
    mesh = plsc.VectorSubcoreMesh(core_axis_name="c", subcore_axis_name="s")

    @functools.partial(
        pl.kernel,
        out_type=jax.ShapeDtypeStruct((ecount, d), jnp.float32),
        mesh=mesh,
        scratch_types=[
            pltpu.VMEM((nch, ch), jnp.int32),
            pltpu.VMEM((ch, d), jnp.float32),
            pltpu.SemaphoreType.DMA,
        ],
    )
    def gk(table_hbm, idx_hbm, out_hbm, idx_v, buf, sem):
        wid = lax.axis_index("c") * _NS + lax.axis_index("s")
        pltpu.sync_copy(idx_hbm.at[wid], idx_v)
        base = wid * nch * ch

        def body(j, carry):
            pltpu.async_copy(table_hbm.at[idx_v.at[j]], buf, sem).wait()
            pltpu.sync_copy(buf, out_hbm.at[pl.ds(base + j * ch, ch)])
            return carry

        lax.fori_loop(0, nch, body, 0)

    return gk(table, idx3)


_OWN = 320
_STRIP = 4000
_GCH = 48


def _sc_scatter_add(src, end_idx, zeros):
    ecount, d = src.shape
    nstrip = ecount // _STRIP
    nq = _STRIP // 16
    mesh = plsc.VectorSubcoreMesh(core_axis_name="c", subcore_axis_name="s")

    @functools.partial(
        pl.kernel,
        out_type=jax.ShapeDtypeStruct((_NW * _OWN, d), jnp.float32),
        mesh=mesh,
        compiler_params=pltpu.CompilerParams(needs_layout_passes=False),
        scratch_types=[
            pltpu.VMEM((_OWN, d), jnp.float32),
            pltpu.VMEM((_STRIP,), jnp.int32),
            pltpu.VMEM((_STRIP + 32,), jnp.int32),
            pltpu.VMEM((_STRIP + 32,), jnp.int32),
            pltpu.VMEM((_GCH, d), jnp.float32),
            pltpu.SemaphoreType.DMA,
        ],
    )
    def sk(src_hbm, end_hbm, z_hbm, out_hbm, accum, end_v, eid_l, dloc_l,
           buf, sem):
        w = lax.axis_index("c") * _NS + lax.axis_index("s")
        lo = w * _OWN
        pltpu.sync_copy(z_hbm, accum)
        iota = lax.iota(jnp.int32, 16)

        def init_body(q, c):
            eid_l[pl.ds(q * 16, 16)] = jnp.zeros((16,), jnp.int32)
            return c

        lax.fori_loop(0, (_STRIP + 32) // 16, init_body, 0)

        def strip_body(t, carry0):
            pltpu.sync_copy(end_hbm.at[pl.ds(t * _STRIP, _STRIP)], end_v)

            def scan_body(q, n):
                ev = end_v[pl.ds(q * 16, 16)]
                dl = ev - jnp.full((16,), lo, jnp.int32)
                mask = (dl >= jnp.zeros((16,), jnp.int32)) & (
                    dl < jnp.full((16,), _OWN, jnp.int32))
                mi32 = jnp.where(mask, jnp.full((16,), 1, jnp.int32),
                                 jnp.zeros((16,), jnp.int32))
                pos = jnp.full((16,), n - 1, jnp.int32) + plsc.cumsum(mi32)
                eidv = jnp.full((16,), t * _STRIP + q * 16, jnp.int32) + iota
                plsc.store_scatter(eid_l, [pos], eidv, mask=mask)
                plsc.store_scatter(dloc_l, [pos], dl, mask=mask)
                return lax.reduce_max(pos, (0,)) + 1

            n = lax.fori_loop(0, nq, scan_body, 0)
            nk = (n + _GCH - 1) // _GCH

            def chunk_body(k, carry1):
                pltpu.async_copy(
                    src_hbm.at[eid_l.at[pl.ds(k * _GCH, _GCH)]], buf, sem
                ).wait()
                lim = jnp.minimum(_GCH, n - k * _GCH)

                def edge_body(i, carry2):
                    dls = plsc.load_gather(
                        dloc_l, [jnp.full((16,), k * _GCH + i, jnp.int32)])
                    for kk in range(d // 16):
                        val = buf[i, pl.ds(kk * 16, 16)]
                        plsc.addupdate_scatter(
                            accum, [dls, kk * 16 + iota], val)
                    return carry2

                lax.fori_loop(0, lim, edge_body, 0)
                return carry1

            lax.fori_loop(0, nk, chunk_body, 0)
            return carry0

        lax.fori_loop(0, nstrip, strip_body, 0)
        pltpu.sync_copy(accum, out_hbm.at[pl.ds(lo, _OWN)])

    return sk(src, end_idx, zeros)



def kernel(x, e, edge_index, att_params, node_params):
    n, d = x.shape
    ecount = e.shape[0]
    start = edge_index[0]
    end = edge_index[1]
    (w1, b1, g1, be1), (w2, b2, g2, be2), (w3, b3, g3, be3) = att_params

    w1a = w1[:d]
    w1b = w1[d:]

    xa = _node_space_matmul(x, w1b)

    idx_g = start.reshape(_NW, _G_NCH, _CH)
    xg = _sc_gather(xa, idx_g)

    src = _edge_mlp(e, xg, w1a, (b1, g1, be1), (w2, b2, g2, be2),
                    (w3, b3, g3, be3))

    zeros = jnp.zeros((_OWN, d), jnp.float32)
    mi_pad = _sc_scatter_add(src, end, zeros)

    return _node_mlp(mi_pad, x, node_params)

# --- scband reference (transcript-rebuilt; emitter-appended) ---
"""Pipeline reference for scband-neighbor-network-47502338294183 (READ-ONLY COPY).

The authoritative reference and input builder live on the scoring server;
editing this copy changes nothing except your own understanding.
"""

import jax, jax.numpy as jnp
import numpy as np

N = 10000
E = 160000
D = 256
ITER = 3


def _init_mlp(key, in_dim, out_dim, n_layers):
    params = []
    d = in_dim
    for i in range(n_layers):
        key, k1 = jax.random.split(key)
        W = jax.random.normal(k1, (d, out_dim), dtype=jnp.float32) / np.sqrt(d)
        b = jnp.zeros((out_dim,), dtype=jnp.float32)
        g = jnp.ones((out_dim,), dtype=jnp.float32)
        be = jnp.zeros((out_dim,), dtype=jnp.float32)
        params.append((W, b, g, be))
        d = out_dim
    return params


def _layer_norm(x, g, b, eps=1e-5):
    m = jnp.mean(x, axis=-1, keepdims=True)
    v = jnp.mean((x - m) ** 2, axis=-1, keepdims=True)
    return (x - m) / jnp.sqrt(v + eps) * g + b


def _mlp(h, params):
    # make_mlp with sizes=[out]*ITER, layer_norm=True, hidden/output activation ReLU:
    # every Linear is followed by LayerNorm then ReLU
    for (W, b, g, be) in params:
        h = jax.nn.relu(_layer_norm(h @ W + b, g, be))
    return h


def setup_inputs(seed: int = 0) -> dict:
    key = jax.random.key(seed)
    k1, k2, k3, k4, k5 = jax.random.split(key, 5)
    x = jax.random.normal(k1, (N, D), dtype=jnp.float32)
    e = jax.random.normal(k2, (E, D), dtype=jnp.float32)
    edge_index = jax.random.randint(k3, (2, E), 0, N, dtype=jnp.int32)
    att_params = _init_mlp(k4, 2 * D, D, ITER)
    node_params = _init_mlp(k5, 2 * D, D, ITER)
    return {"x": x, "e": e, "edge_index": edge_index,
            "att_params": att_params, "node_params": node_params}


def reference(x, e, edge_index, att_params, node_params):
    start = edge_index[0]
    end = edge_index[1]
    src = _mlp(jnp.concatenate([e, x[start]], axis=1), att_params)
    mi = jnp.zeros((x.shape[0], src.shape[1]), dtype=src.dtype).at[end].add(src)
    node_inputs = jnp.concatenate([mi, x], axis=1)
    return _mlp(node_inputs, node_params)

if __name__ == "__main__":
    import jax
    _d = setup_inputs()
    print(jax.jit(kernel)(*tuple(_d.values())))

</pallas_src>

<mosaic_0001>
#map = affine_map<(d0, d1) -> (0, 0)>
#map1 = affine_map<(d0, d1) -> (0)>
module attributes {stable_mosaic.version = 14 : i64} {
  func.func @sk(%arg0: i32, %arg1: i32, %arg2: memref<160000x256xf32, #tpu.memory_space<hbm>>, %arg3: memref<160000xi32, #tpu.memory_space<hbm>>, %arg4: memref<320x256xf32, #tpu.memory_space<hbm>>, %arg5: memref<10240x256xf32, #tpu.memory_space<hbm>>, %arg6: memref<320x256xf32, #tpu.memory_space<vmem>>, %arg7: memref<4000xi32, #tpu.memory_space<vmem>>, %arg8: memref<4032xi32, #tpu.memory_space<vmem>>, %arg9: memref<4032xi32, #tpu.memory_space<vmem>>, %arg10: memref<48x256xf32, #tpu.memory_space<vmem>>, %arg11: memref<!tpu.dma_semaphore, #tpu.memory_space<semaphore_mem>>) attributes {dimension_semantics = [#tpu.dimension_semantics<core_parallel>, #tpu.dimension_semantics<subcore_parallel>], iteration_bounds = array<i64: 2, 16>, scalar_prefetch = 0 : i64, scratch_operands = 6 : i64, tpu.core_type = #tpu.core_type<sc_vector_subcore>, window_params = [{transform_indices = #map}, {transform_indices = #map1}, {transform_indices = #map}, {transform_indices = #map}]} {
    %mul3A = arith.constant 16 : i32
    %mul3A_0 = arith.muli %arg0, %mul3A : i32
    %add3A = arith.addi %mul3A_0, %arg1 : i32
    %mul3A_1 = arith.constant 320 : i32
    %mul3A_2 = arith.muli %add3A, %mul3A_1 : i32
    "tpu.region"() ({
      %run_scoped3A = tpu.sem_alloc : memref<!tpu.dma_semaphore, #tpu.memory_space<semaphore_mem>>
      tpu.enqueue_dma source(%arg4 : memref<320x256xf32, #tpu.memory_space<hbm>>) target(%arg6 : memref<320x256xf32, #tpu.memory_space<vmem>>) target_semaphore(%run_scoped3A : memref<!tpu.dma_semaphore, #tpu.memory_space<semaphore_mem>>)
      tpu.wait_dma2 semaphore(%run_scoped3A : memref<!tpu.dma_semaphore, #tpu.memory_space<semaphore_mem>>) src(%arg4 : memref<320x256xf32, #tpu.memory_space<hbm>>) dst(%arg6 : memref<320x256xf32, #tpu.memory_space<vmem>>)
      tpu.yield
    }) : () -> ()
    %iota3A = tpu.iota {dimensions = array<i32: 0>} : vector<16xi32>
    %scan3A = arith.constant 0 : i32
    %scan3A_3 = arith.constant 0 : i32
    %scan3A_4 = arith.constant 252 : i32
    %scan3A_5 = arith.addi %scan3A_3, %scan3A_4 : i32
    %scan3A_6 = arith.constant 1 : i32
    scf.for %scan3A_14 = %scan3A_3 to %scan3A_5 step %scan3A_6  : i32 {
      %broadcast_in_dim3A = arith.constant 0 : i32
      %broadcast_in_dim3A_15 = vector.broadcast %broadcast_in_dim3A : i32 to vector<16xi32>
      %mul3A_16 = arith.constant 16 : i32
      %mul3A_17 = arith.muli %scan3A_14, %mul3A_16 : i32
      %swap3A = arith.index_cast %mul3A_17 : i32 to index
      %swap3A_18 = tpu.vector_load %arg8[%swap3A] {strides = array<i32>} : memref<4032xi32, #tpu.memory_space<vmem>>, vector<16xi32>,
      tpu.vector_store %arg8[%swap3A], %broadcast_in_dim3A_15 {strides = array<i32>} : memref<4032xi32, #tpu.memory_space<vmem>>, vector<16xi32>,
    }
    %scan3A_7 = arith.constant 252 : i32
    %scan3A_8 = arith.constant 0 : i32
    %scan3A_9 = arith.constant 0 : i32
    %scan3A_10 = arith.constant 40 : i32
    %scan3A_11 = arith.addi %scan3A_9, %scan3A_10 : i32
    %scan3A_12 = arith.constant 1 : i32
    scf.for %scan3A_14 = %scan3A_9 to %scan3A_11 step %scan3A_12  : i32 {
      %mul3A_15 = arith.constant 4000 : i32
      %mul3A_16 = arith.muli %scan3A_14, %mul3A_15 : i32
      "tpu.region"() ({
        %run_scoped3A = tpu.sem_alloc : memref<!tpu.dma_semaphore, #tpu.memory_space<semaphore_mem>>
        %dma_start3A = tpu.memref_slice %arg3[%mul3A_16] : memref<160000xi32, #tpu.memory_space<hbm>> -> memref<4000xi32, #tpu.memory_space<hbm>>
        %dma_start3A_53 = tpu.memref_slice %arg3[%mul3A_16] : memref<160000xi32, #tpu.memory_space<hbm>> -> memref<4000xi32, #tpu.memory_space<hbm>>
        tpu.enqueue_dma source(%dma_start3A_53 : memref<4000xi32, #tpu.memory_space<hbm>>) target(%arg7 : memref<4000xi32, #tpu.memory_space<vmem>>) target_semaphore(%run_scoped3A : memref<!tpu.dma_semaphore, #tpu.memory_space<semaphore_mem>>)
        %dma_wait3A = tpu.memref_slice %arg3[%mul3A_16] : memref<160000xi32, #tpu.memory_space<hbm>> -> memref<4000xi32, #tpu.memory_space<hbm>>
        %dma_wait3A_54 = tpu.memref_slice %arg3[%mul3A_16] : memref<160000xi32, #tpu.memory_space<hbm>> -> memref<4000xi32, #tpu.memory_space<hbm>>
        tpu.wait_dma2 semaphore(%run_scoped3A : memref<!tpu.dma_semaphore, #tpu.memory_space<semaphore_mem>>) src(%dma_wait3A_54 : memref<4000xi32, #tpu.memory_space<hbm>>) dst(%arg7 : memref<4000xi32, #tpu.memory_space<vmem>>)
        tpu.yield
      }) : () -> ()
      %scan3A_17 = arith.constant 0 : i32
      %scan3A_18 = arith.constant 0 : i32
      %scan3A_19 = arith.constant 250 : i32
      %scan3A_20 = arith.addi %scan3A_18, %scan3A_19 : i32
      %scan3A_21 = arith.constant 1 : i32
      %scan3A_22 = scf.for %scan3A_53 = %scan3A_18 to %scan3A_20 step %scan3A_21 iter_args(%scan3A_54 = %scan3A_17) -> (i32)  : i32 {
        %mul3A_55 = arith.constant 16 : i32
        %mul3A_56 = arith.muli %scan3A_53, %mul3A_55 : i32
        %get3A = arith.index_cast %mul3A_56 : i32 to index
        %get3A_57 = tpu.vector_load %arg7[%get3A] {strides = array<i32>} : memref<4000xi32, #tpu.memory_space<vmem>>, vector<16xi32>,
        %broadcast_in_dim3A = vector.broadcast %mul3A_2 : i32 to vector<16xi32>
        %sub3A_58 = arith.subi %get3A_57, %broadcast_in_dim3A : vector<16xi32>
        %broadcast_in_dim3A_59 = arith.constant 0 : i32
        %broadcast_in_dim3A_60 = vector.broadcast %broadcast_in_dim3A_59 : i32 to vector<16xi32>
        %ge3A = arith.cmpi sge, %sub3A_58, %broadcast_in_dim3A_60 : vector<16xi32>
        %broadcast_in_dim3A_61 = arith.constant 320 : i32
        %broadcast_in_dim3A_62 = vector.broadcast %broadcast_in_dim3A_61 : i32 to vector<16xi32>
        %lt3A = arith.cmpi slt, %sub3A_58, %broadcast_in_dim3A_62 : vector<16xi32>
        %and3A_63 = arith.andi %ge3A, %lt3A : vector<16xi1>
        %broadcast_in_dim3A_64 = arith.constant 1 : i32
        %broadcast_in_dim3A_65 = vector.broadcast %broadcast_in_dim3A_64 : i32 to vector<16xi32>
        %broadcast_in_dim3A_66 = arith.constant 0 : i32
        %broadcast_in_dim3A_67 = vector.broadcast %broadcast_in_dim3A_66 : i32 to vector<16xi32>
        %select_n3A_68 = arith.select %and3A_63, %broadcast_in_dim3A_65, %broadcast_in_dim3A_67 : vector<16xi1>, vector<16xi32>
        %sub3A_69 = arith.constant 1 : i32
        %sub3A_70 = arith.subi %scan3A_54, %sub3A_69 : i32
        %broadcast_in_dim3A_71 = vector.broadcast %sub3A_70 : i32 to vector<16xi32>
        %broadcast_in_dim3A_72 = arith.constant true
        %broadcast_in_dim3A_73 = vector.broadcast %broadcast_in_dim3A_72 : i1 to vector<16xi1>
        %masked_cumsum3A = tpu.scan <sum>, %select_n3A_68 masked %broadcast_in_dim3A_73 : vector<16xi32>, vector<16xi1> -> vector<16xi32>
        %add3A_74 = arith.addi %broadcast_in_dim3A_71, %masked_cumsum3A : vector<16xi32>
        %mul3A_75 = arith.constant 4000 : i32
        %mul3A_76 = arith.muli %scan3A_14, %mul3A_75 : i32
        %mul3A_77 = arith.constant 16 : i32
        %mul3A_78 = arith.muli %scan3A_53, %mul3A_77 : i32
        %add3A_79 = arith.addi %mul3A_76, %mul3A_78 : i32
        %broadcast_in_dim3A_80 = vector.broadcast %add3A_79 : i32 to vector<16xi32>
        %add3A_81 = arith.addi %broadcast_in_dim3A_80, %iota3A : vector<16xi32>
        tpu.vector_store_idx %arg8[%add3A_74], %add3A_81 masked %and3A_63 : memref<4032xi32, #tpu.memory_space<vmem>>[vector<16xi32>], vector<16xi32>, vector<16xi1>
        tpu.vector_store_idx %arg9[%add3A_74], %sub3A_58 masked %and3A_63 : memref<4032xi32, #tpu.memory_space<vmem>>[vector<16xi32>], vector<16xi32>, vector<16xi1>
        %reduce_max3A = arith.constant true
        %reduce_max3A_82 = vector.broadcast %reduce_max3A : i1 to vector<16xi1>
        %reduce_max3A_83 = arith.constant -2147483648 : i32
        %reduce_max3A_84 = vector.broadcast %reduce_max3A_83 : i32 to vector<16xi32>
        %reduce_max3A_85 = arith.xori %add3A_74, %reduce_max3A_84 : vector<16xi32>
        %reduce_max3A_86 = tpu.scan <max>, %reduce_max3A_85 masked %reduce_max3A_82 : vector<16xi32>, vector<16xi1> -> vector<16xi32>
        %reduce_max3A_87 = arith.xori %reduce_max3A_86, %reduce_max3A_84 : vector<16xi32>
        %reduce_max3A_88 = vector.extract %reduce_max3A_87[15] : i32 from vector<16xi32>
        %add3A_89 = arith.constant 1 : i32
        %add3A_90 = arith.addi %reduce_max3A_88, %add3A_89 : i32
        scf.yield %add3A_90 : i32
      }
      %scan3A_23 = arith.constant 250 : i32
      %add3A_24 = arith.constant 48 : i32
      %add3A_25 = arith.addi %scan3A_22, %add3A_24 : i32
      %sub3A = arith.constant 1 : i32
      %sub3A_26 = arith.subi %add3A_25, %sub3A : i32
      %jit3A = arith.constant 48 : i32
      %div3A = arith.divsi %sub3A_26, %jit3A : i32
      %sign3A = arith.constant 0 : i32
      %sign3A_27 = arith.cmpi sgt, %sub3A_26, %sign3A : i32
      %sign3A_28 = arith.extui %sign3A_27 : i1 to i32
      %sign3A_29 = arith.constant 0 : i32
      %sign3A_30 = arith.cmpi slt, %sub3A_26, %sign3A_29 : i32
      %sign3A_31 = arith.extui %sign3A_30 : i1 to i32
      %sign3A_32 = arith.subi %sign3A_28, %sign3A_31 : i32
      %sign3A_33 = arith.constant 0 : i32
      %sign3A_34 = arith.cmpi sgt, %jit3A, %sign3A_33 : i32
      %sign3A_35 = arith.extui %sign3A_34 : i1 to i32
      %sign3A_36 = arith.constant 0 : i32
      %sign3A_37 = arith.cmpi slt, %jit3A, %sign3A_36 : i32
      %sign3A_38 = arith.extui %sign3A_37 : i1 to i32
      %sign3A_39 = arith.subi %sign3A_35, %sign3A_38 : i32
      %ne3A = arith.cmpi ne, %sign3A_32, %sign3A_39 : i32
      %rem3A = arith.remsi %sub3A_26, %jit3A : i32
      %ne3A_40 = arith.constant 0 : i32
      %ne3A_41 = arith.cmpi ne, %rem3A, %ne3A_40 : i32
      %and3A = arith.andi %ne3A, %ne3A_41 : i1
      %sub3A_42 = arith.constant 1 : i32
      %sub3A_43 = arith.subi %div3A, %sub3A_42 : i32
      %select_n3A = arith.select %and3A, %sub3A_43, %div3A : i32
      %while3A = arith.constant 0 : i32
      %while3A_44 = arith.constant 0 : i32
      %while3A_45 = arith.subi %select_n3A, %while3A_44 : i32
      %while3A_46 = arith.addi %while3A_44, %while3A_45 : i32
      %while3A_47 = arith.constant 1 : i32
      %while3A_48 = arith.divsi %while3A_45, %while3A_47 : i32
      %while3A_49 = arith.muli %while3A_48, %while3A_47 : i32
      %while3A_50 = arith.addi %while3A_44, %while3A_49 : i32
      %while3A_51 = arith.constant 1 : i32
      scf.for %while3A_53 = %while3A_44 to %while3A_50 step %while3A_51  : i32 {
        %mul3A_54 = arith.constant 48 : i32
        %mul3A_55 = arith.muli %while3A_53, %mul3A_54 : i32
        %dma_start3A = tpu.memref_slice %arg8[%mul3A_55] : memref<4032xi32, #tpu.memory_space<vmem>> -> memref<48xi32, #tpu.memory_space<vmem>>
        %dma_start3A_56 = arith.constant 0 : i32
        %dma_start3A_57 = arith.constant 0 : i32
        %dma_start3A_58 = tpu.memref_slice %arg2[%dma_start3A_56, %dma_start3A_57] : memref<160000x256xf32, #tpu.memory_space<hbm>> -> memref<160000x256xf32, #tpu.memory_space<hbm>>
        tpu.enqueue_indirect_dma source(%dma_start3A_58 : memref<160000x256xf32, #tpu.memory_space<hbm>>) target(%arg10 : memref<48x256xf32, #tpu.memory_space<vmem>>) offsets(%dma_start3A : memref<48xi32, #tpu.memory_space<vmem>>) semaphore(%arg11 : memref<!tpu.dma_semaphore, #tpu.memory_space<semaphore_mem>>)
        %dma_wait3A = tpu.memref_slice %arg8[%mul3A_55] : memref<4032xi32, #tpu.memory_space<vmem>> -> memref<48xi32, #tpu.memory_space<vmem>>
        %dma_wait3A_59 = arith.constant 0 : i32
        %dma_wait3A_60 = arith.constant 0 : i32
        %dma_wait3A_61 = tpu.memref_slice %arg2[%dma_wait3A_59, %dma_wait3A_60] : memref<160000x256xf32, #tpu.memory_space<hbm>> -> memref<160000x256xf32, #tpu.memory_space<hbm>>
        tpu.wait_indirect_dma semaphore(%arg11 : memref<!tpu.dma_semaphore, #tpu.memory_space<semaphore_mem>>) src(%dma_wait3A_61 : memref<160000x256xf32, #tpu.memory_space<hbm>>) dst(%arg10 : memref<48x256xf32, #tpu.memory_space<vmem>>)
        %mul3A_62 = arith.constant 48 : i32
        %mul3A_63 = arith.muli %while3A_53, %mul3A_62 : i32
        %sub3A_64 = arith.subi %scan3A_22, %mul3A_63 : i32
        %min3A = arith.constant 48 : i32
        %min3A_65 = arith.minsi %min3A, %sub3A_64 : i32
        %while3A_66 = arith.constant 0 : i32
        %while3A_67 = arith.constant 0 : i32
        %while3A_68 = arith.subi %min3A_65, %while3A_67 : i32
        %while3A_69 = arith.addi %while3A_67, %while3A_68 : i32
        %while3A_70 = arith.constant 1 : i32
        %while3A_71 = arith.divsi %while3A_68, %while3A_70 : i32
        %while3A_72 = arith.muli %while3A_71, %while3A_70 : i32
        %while3A_73 = arith.addi %while3A_67, %while3A_72 : i32
        %while3A_74 = arith.constant 1 : i32
        scf.for %while3A_76 = %while3A_67 to %while3A_73 step %while3A_74  : i32 {
          %mul3A_77 = arith.constant 48 : i32
          %mul3A_78 = arith.muli %while3A_53, %mul3A_77 : i32
          %add3A_79 = arith.addi %mul3A_78, %while3A_76 : i32
          %broadcast_in_dim3A = vector.broadcast %add3A_79 : i32 to vector<16xi32>
          %gather3A = tpu.vector_load_idx %arg9[%broadcast_in_dim3A] : memref<4032xi32, #tpu.memory_space<vmem>>[vector<16xi32>], vector<16xi32>,
          %get3A = arith.index_cast %while3A_76 : i32 to index
          %get3A_80 = arith.constant 0 : index
          %get3A_81 = tpu.vector_load %arg10[%get3A, %get3A_80] {strides = array<i32>} : memref<48x256xf32, #tpu.memory_space<vmem>>, vector<16xf32>,
          %add3A_82 = arith.constant 0 : i32
          %add3A_83 = vector.broadcast %add3A_82 : i32 to vector<16xi32>
          %add3A_84 = arith.addi %add3A_83, %iota3A : vector<16xi32>
          tpu.vector_store_idx %arg6[%gather3A, %add3A_84], %get3A_81 {add = true} : memref<320x256xf32, #tpu.memory_space<vmem>>[vector<16xi32>, vector<16xi32>], vector<16xf32>,
          %get3A_85 = arith.index_cast %while3A_76 : i32 to index
          %get3A_86 = arith.constant 16 : index
          %get3A_87 = tpu.vector_load %arg10[%get3A_85, %get3A_86] {strides = array<i32>} : memref<48x256xf32, #tpu.memory_space<vmem>>, vector<16xf32>,
          %add3A_88 = arith.constant 16 : i32
          %add3A_89 = vector.broadcast %add3A_88 : i32 to vector<16xi32>
          %add3A_90 = arith.addi %add3A_89, %iota3A : vector<16xi32>
          tpu.vector_store_idx %arg6[%gather3A, %add3A_90], %get3A_87 {add = true} : memref<320x256xf32, #tpu.memory_space<vmem>>[vector<16xi32>, vector<16xi32>], vector<16xf32>,
          %get3A_91 = arith.index_cast %while3A_76 : i32 to index
          %get3A_92 = arith.constant 32 : index
          %get3A_93 = tpu.vector_load %arg10[%get3A_91, %get3A_92] {strides = array<i32>} : memref<48x256xf32, #tpu.memory_space<vmem>>, vector<16xf32>,
          %add3A_94 = arith.constant 32 : i32
          %add3A_95 = vector.broadcast %add3A_94 : i32 to vector<16xi32>
          %add3A_96 = arith.addi %add3A_95, %iota3A : vector<16xi32>
          tpu.vector_store_idx %arg6[%gather3A, %add3A_96], %get3A_93 {add = true} : memref<320x256xf32, #tpu.memory_space<vmem>>[vector<16xi32>, vector<16xi32>], vector<16xf32>,
          %get3A_97 = arith.index_cast %while3A_76 : i32 to index
          %get3A_98 = arith.constant 48 : index
          %get3A_99 = tpu.vector_load %arg10[%get3A_97, %get3A_98] {strides = array<i32>} : memref<48x256xf32, #tpu.memory_space<vmem>>, vector<16xf32>,
          %add3A_100 = arith.constant 48 : i32
          %add3A_101 = vector.broadcast %add3A_100 : i32 to vector<16xi32>
          %add3A_102 = arith.addi %add3A_101, %iota3A : vector<16xi32>
          tpu.vector_store_idx %arg6[%gather3A, %add3A_102], %get3A_99 {add = true} : memref<320x256xf32, #tpu.memory_space<vmem>>[vector<16xi32>, vector<16xi32>], vector<16xf32>,
          %get3A_103 = arith.index_cast %while3A_76 : i32 to index
          %get3A_104 = arith.constant 64 : index
          %get3A_105 = tpu.vector_load %arg10[%get3A_103, %get3A_104] {strides = array<i32>} : memref<48x256xf32, #tpu.memory_space<vmem>>, vector<16xf32>,
          %add3A_106 = arith.constant 64 : i32
          %add3A_107 = vector.broadcast %add3A_106 : i32 to vector<16xi32>
          %add3A_108 = arith.addi %add3A_107, %iota3A : vector<16xi32>
          tpu.vector_store_idx %arg6[%gather3A, %add3A_108], %get3A_105 {add = true} : memref<320x256xf32, #tpu.memory_space<vmem>>[vector<16xi32>, vector<16xi32>], vector<16xf32>,
          %get3A_109 = arith.index_cast %while3A_76 : i32 to index
          %get3A_110 = arith.constant 80 : index
          %get3A_111 = tpu.vector_load %arg10[%get3A_109, %get3A_110] {strides = array<i32>} : memref<48x256xf32, #tpu.memory_space<vmem>>, vector<16xf32>,
          %add3A_112 = arith.constant 80 : i32
          %add3A_113 = vector.broadcast %add3A_112 : i32 to vector<16xi32>
          %add3A_114 = arith.addi %add3A_113, %iota3A : vector<16xi32>
          tpu.vector_store_idx %arg6[%gather3A, %add3A_114], %get3A_111 {add = true} : memref<320x256xf32, #tpu.memory_space<vmem>>[vector<16xi32>, vector<16xi32>], vector<16xf32>,
          %get3A_115 = arith.index_cast %while3A_76 : i32 to index
          %get3A_116 = arith.constant 96 : index
          %get3A_117 = tpu.vector_load %arg10[%get3A_115, %get3A_116] {strides = array<i32>} : memref<48x256xf32, #tpu.memory_space<vmem>>, vector<16xf32>,
          %add3A_118 = arith.constant 96 : i32
          %add3A_119 = vector.broadcast %add3A_118 : i32 to vector<16xi32>
          %add3A_120 = arith.addi %add3A_119, %iota3A : vector<16xi32>
          tpu.vector_store_idx %arg6[%gather3A, %add3A_120], %get3A_117 {add = true} : memref<320x256xf32, #tpu.memory_space<vmem>>[vector<16xi32>, vector<16xi32>], vector<16xf32>,
          %get3A_121 = arith.index_cast %while3A_76 : i32 to index
          %get3A_122 = arith.constant 112 : index
          %get3A_123 = tpu.vector_load %arg10[%get3A_121, %get3A_122] {strides = array<i32>} : memref<48x256xf32, #tpu.memory_space<vmem>>, vector<16xf32>,
          %add3A_124 = arith.constant 112 : i32
          %add3A_125 = vector.broadcast %add3A_124 : i32 to vector<16xi32>
          %add3A_126 = arith.addi %add3A_125, %iota3A : vector<16xi32>
          tpu.vector_store_idx %arg6[%gather3A, %add3A_126], %get3A_123 {add = true} : memref<320x256xf32, #tpu.memory_space<vmem>>[vector<16xi32>, vector<16xi32>], vector<16xf32>,
          %get3A_127 = arith.index_cast %while3A_76 : i32 to index
          %get3A_128 = arith.constant 128 : index
          %get3A_129 = tpu.vector_load %arg10[%get3A_127, %get3A_128] {strides = array<i32>} : memref<48x256xf32, #tpu.memory_space<vmem>>, vector<16xf32>,
          %add3A_130 = arith.constant 128 : i32
          %add3A_131 = vector.broadcast %add3A_130 : i32 to vector<16xi32>
          %add3A_132 = arith.addi %add3A_131, %iota3A : vector<16xi32>
          tpu.vector_store_idx %arg6[%gather3A, %add3A_132], %get3A_129 {add = true} : memref<320x256xf32, #tpu.memory_space<vmem>>[vector<16xi32>, vector<16xi32>], vector<16xf32>,
          %get3A_133 = arith.index_cast %while3A_76 : i32 to index
          %get3A_134 = arith.constant 144 : index
          %get3A_135 = tpu.vector_load %arg10[%get3A_133, %get3A_134] {strides = array<i32>} : memref<48x256xf32, #tpu.memory_space<vmem>>, vector<16xf32>,
          %add3A_136 = arith.constant 144 : i32
          %add3A_137 = vector.broadcast %add3A_136 : i32 to vector<16xi32>
          %add3A_138 = arith.addi %add3A_137, %iota3A : vector<16xi32>
          tpu.vector_store_idx %arg6[%gather3A, %add3A_138], %get3A_135 {add = true} : memref<320x256xf32, #tpu.memory_space<vmem>>[vector<16xi32>, vector<16xi32>], vector<16xf32>,
          %get3A_139 = arith.index_cast %while3A_76 : i32 to index
          %get3A_140 = arith.constant 160 : index
          %get3A_141 = tpu.vector_load %arg10[%get3A_139, %get3A_140] {strides = array<i32>} : memref<48x256xf32, #tpu.memory_space<vmem>>, vector<16xf32>,
          %add3A_142 = arith.constant 160 : i32
          %add3A_143 = vector.broadcast %add3A_142 : i32 to vector<16xi32>
          %add3A_144 = arith.addi %add3A_143, %iota3A : vector<16xi32>
          tpu.vector_store_idx %arg6[%gather3A, %add3A_144], %get3A_141 {add = true} : memref<320x256xf32, #tpu.memory_space<vmem>>[vector<16xi32>, vector<16xi32>], vector<16xf32>,
          %get3A_145 = arith.index_cast %while3A_76 : i32 to index
          %get3A_146 = arith.constant 176 : index
          %get3A_147 = tpu.vector_load %arg10[%get3A_145, %get3A_146] {strides = array<i32>} : memref<48x256xf32, #tpu.memory_space<vmem>>, vector<16xf32>,
          %add3A_148 = arith.constant 176 : i32
          %add3A_149 = vector.broadcast %add3A_148 : i32 to vector<16xi32>
          %add3A_150 = arith.addi %add3A_149, %iota3A : vector<16xi32>
          tpu.vector_store_idx %arg6[%gather3A, %add3A_150], %get3A_147 {add = true} : memref<320x256xf32, #tpu.memory_space<vmem>>[vector<16xi32>, vector<16xi32>], vector<16xf32>,
          %get3A_151 = arith.index_cast %while3A_76 : i32 to index
          %get3A_152 = arith.constant 192 : index
          %get3A_153 = tpu.vector_load %arg10[%get3A_151, %get3A_152] {strides = array<i32>} : memref<48x256xf32, #tpu.memory_space<vmem>>, vector<16xf32>,
          %add3A_154 = arith.constant 192 : i32
          %add3A_155 = vector.broadcast %add3A_154 : i32 to vector<16xi32>
          %add3A_156 = arith.addi %add3A_155, %iota3A : vector<16xi32>
          tpu.vector_store_idx %arg6[%gather3A, %add3A_156], %get3A_153 {add = true} : memref<320x256xf32, #tpu.memory_space<vmem>>[vector<16xi32>, vector<16xi32>], vector<16xf32>,
          %get3A_157 = arith.index_cast %while3A_76 : i32 to index
          %get3A_158 = arith.constant 208 : index
          %get3A_159 = tpu.vector_load %arg10[%get3A_157, %get3A_158] {strides = array<i32>} : memref<48x256xf32, #tpu.memory_space<vmem>>, vector<16xf32>,
          %add3A_160 = arith.constant 208 : i32
          %add3A_161 = vector.broadcast %add3A_160 : i32 to vector<16xi32>
          %add3A_162 = arith.addi %add3A_161, %iota3A : vector<16xi32>
          tpu.vector_store_idx %arg6[%gather3A, %add3A_162], %get3A_159 {add = true} : memref<320x256xf32, #tpu.memory_space<vmem>>[vector<16xi32>, vector<16xi32>], vector<16xf32>,
          %get3A_163 = arith.index_cast %while3A_76 : i32 to index
          %get3A_164 = arith.constant 224 : index
          %get3A_165 = tpu.vector_load %arg10[%get3A_163, %get3A_164] {strides = array<i32>} : memref<48x256xf32, #tpu.memory_space<vmem>>, vector<16xf32>,
          %add3A_166 = arith.constant 224 : i32
          %add3A_167 = vector.broadcast %add3A_166 : i32 to vector<16xi32>
          %add3A_168 = arith.addi %add3A_167, %iota3A : vector<16xi32>
          tpu.vector_store_idx %arg6[%gather3A, %add3A_168], %get3A_165 {add = true} : memref<320x256xf32, #tpu.memory_space<vmem>>[vector<16xi32>, vector<16xi32>], vector<16xf32>,
          %get3A_169 = arith.index_cast %while3A_76 : i32 to index
          %get3A_170 = arith.constant 240 : index
          %get3A_171 = tpu.vector_load %arg10[%get3A_169, %get3A_170] {strides = array<i32>} : memref<48x256xf32, #tpu.memory_space<vmem>>, vector<16xf32>,
          %add3A_172 = arith.constant 240 : i32
          %add3A_173 = vector.broadcast %add3A_172 : i32 to vector<16xi32>
          %add3A_174 = arith.addi %add3A_173, %iota3A : vector<16xi32>
          tpu.vector_store_idx %arg6[%gather3A, %add3A_174], %get3A_171 {add = true} : memref<320x256xf32, #tpu.memory_space<vmem>>[vector<16xi32>, vector<16xi32>], vector<16xf32>,
        }
        %while3A_75 = arith.constant 1 : i32
        scf.for %while3A_76 = %while3A_73 to %while3A_69 step %while3A_75  : i32 {
          %mul3A_77 = arith.constant 48 : i32
          %mul3A_78 = arith.muli %while3A_53, %mul3A_77 : i32
          %add3A_79 = arith.addi %mul3A_78, %while3A_76 : i32
          %broadcast_in_dim3A = vector.broadcast %add3A_79 : i32 to vector<16xi32>
          %gather3A = tpu.vector_load_idx %arg9[%broadcast_in_dim3A] : memref<4032xi32, #tpu.memory_space<vmem>>[vector<16xi32>], vector<16xi32>,
          %get3A = arith.index_cast %while3A_76 : i32 to index
          %get3A_80 = arith.constant 0 : index
          %get3A_81 = tpu.vector_load %arg10[%get3A, %get3A_80] {strides = array<i32>} : memref<48x256xf32, #tpu.memory_space<vmem>>, vector<16xf32>,
          %add3A_82 = arith.constant 0 : i32
          %add3A_83 = vector.broadcast %add3A_82 : i32 to vector<16xi32>
          %add3A_84 = arith.addi %add3A_83, %iota3A : vector<16xi32>
          tpu.vector_store_idx %arg6[%gather3A, %add3A_84], %get3A_81 {add = true} : memref<320x256xf32, #tpu.memory_space<vmem>>[vector<16xi32>, vector<16xi32>], vector<16xf32>,
          %get3A_85 = arith.index_cast %while3A_76 : i32 to index
          %get3A_86 = arith.constant 16 : index
          %get3A_87 = tpu.vector_load %arg10[%get3A_85, %get3A_86] {strides = array<i32>} : memref<48x256xf32, #tpu.memory_space<vmem>>, vector<16xf32>,
          %add3A_88 = arith.constant 16 : i32
          %add3A_89 = vector.broadcast %add3A_88 : i32 to vector<16xi32>
          %add3A_90 = arith.addi %add3A_89, %iota3A : vector<16xi32>
          tpu.vector_store_idx %arg6[%gather3A, %add3A_90], %get3A_87 {add = true} : memref<320x256xf32, #tpu.memory_space<vmem>>[vector<16xi32>, vector<16xi32>], vector<16xf32>,
          %get3A_91 = arith.index_cast %while3A_76 : i32 to index
          %get3A_92 = arith.constant 32 : index
          %get3A_93 = tpu.vector_load %arg10[%get3A_91, %get3A_92] {strides = array<i32>} : memref<48x256xf32, #tpu.memory_space<vmem>>, vector<16xf32>,
          %add3A_94 = arith.constant 32 : i32
          %add3A_95 = vector.broadcast %add3A_94 : i32 to vector<16xi32>
          %add3A_96 = arith.addi %add3A_95, %iota3A : vector<16xi32>
          tpu.vector_store_idx %arg6[%gather3A, %add3A_96], %get3A_93 {add = true} : memref<320x256xf32, #tpu.memory_space<vmem>>[vector<16xi32>, vector<16xi32>], vector<16xf32>,
          %get3A_97 = arith.index_cast %while3A_76 : i32 to index
          %get3A_98 = arith.constant 48 : index
          %get3A_99 = tpu.vector_load %arg10[%get3A_97, %get3A_98] {strides = array<i32>} : memref<48x256xf32, #tpu.memory_space<vmem>>, vector<16xf32>,
          %add3A_100 = arith.constant 48 : i32
          %add3A_101 = vector.broadcast %add3A_100 : i32 to vector<16xi32>
          %add3A_102 = arith.addi %add3A_101, %iota3A : vector<16xi32>
          tpu.vector_store_idx %arg6[%gather3A, %add3A_102], %get3A_99 {add = true} : memref<320x256xf32, #tpu.memory_space<vmem>>[vector<16xi32>, vector<16xi32>], vector<16xf32>,
          %get3A_103 = arith.index_cast %while3A_76 : i32 to index
          %get3A_104 = arith.constant 64 : index
          %get3A_105 = tpu.vector_load %arg10[%get3A_103, %get3A_104] {strides = array<i32>} : memref<48x256xf32, #tpu.memory_space<vmem>>, vector<16xf32>,
          %add3A_106 = arith.constant 64 : i32
          %add3A_107 = vector.broadcast %add3A_106 : i32 to vector<16xi32>
          %add3A_108 = arith.addi %add3A_107, %iota3A : vector<16xi32>
          tpu.vector_store_idx %arg6[%gather3A, %add3A_108], %get3A_105 {add = true} : memref<320x256xf32, #tpu.memory_space<vmem>>[vector<16xi32>, vector<16xi32>], vector<16xf32>,
          %get3A_109 = arith.index_cast %while3A_76 : i32 to index
          %get3A_110 = arith.constant 80 : index
          %get3A_111 = tpu.vector_load %arg10[%get3A_109, %get3A_110] {strides = array<i32>} : memref<48x256xf32, #tpu.memory_space<vmem>>, vector<16xf32>,
          %add3A_112 = arith.constant 80 : i32
          %add3A_113 = vector.broadcast %add3A_112 : i32 to vector<16xi32>
          %add3A_114 = arith.addi %add3A_113, %iota3A : vector<16xi32>
          tpu.vector_store_idx %arg6[%gather3A, %add3A_114], %get3A_111 {add = true} : memref<320x256xf32, #tpu.memory_space<vmem>>[vector<16xi32>, vector<16xi32>], vector<16xf32>,
          %get3A_115 = arith.index_cast %while3A_76 : i32 to index
          %get3A_116 = arith.constant 96 : index
          %get3A_117 = tpu.vector_load %arg10[%get3A_115, %get3A_116] {strides = array<i32>} : memref<48x256xf32, #tpu.memory_space<vmem>>, vector<16xf32>,
          %add3A_118 = arith.constant 96 : i32
          %add3A_119 = vector.broadcast %add3A_118 : i32 to vector<16xi32>
          %add3A_120 = arith.addi %add3A_119, %iota3A : vector<16xi32>
          tpu.vector_store_idx %arg6[%gather3A, %add3A_120], %get3A_117 {add = true} : memref<320x256xf32, #tpu.memory_space<vmem>>[vector<16xi32>, vector<16xi32>], vector<16xf32>,
          %get3A_121 = arith.index_cast %while3A_76 : i32 to index
          %get3A_122 = arith.constant 112 : index
          %get3A_123 = tpu.vector_load %arg10[%get3A_121, %get3A_122] {strides = array<i32>} : memref<48x256xf32, #tpu.memory_space<vmem>>, vector<16xf32>,
          %add3A_124 = arith.constant 112 : i32
          %add3A_125 = vector.broadcast %add3A_124 : i32 to vector<16xi32>
          %add3A_126 = arith.addi %add3A_125, %iota3A : vector<16xi32>
          tpu.vector_store_idx %arg6[%gather3A, %add3A_126], %get3A_123 {add = true} : memref<320x256xf32, #tpu.memory_space<vmem>>[vector<16xi32>, vector<16xi32>], vector<16xf32>,
          %get3A_127 = arith.index_cast %while3A_76 : i32 to index
          %get3A_128 = arith.constant 128 : index
          %get3A_129 = tpu.vector_load %arg10[%get3A_127, %get3A_128] {strides = array<i32>} : memref<48x256xf32, #tpu.memory_space<vmem>>, vector<16xf32>,
          %add3A_130 = arith.constant 128 : i32
          %add3A_131 = vector.broadcast %add3A_130 : i32 to vector<16xi32>
          %add3A_132 = arith.addi %add3A_131, %iota3A : vector<16xi32>
          tpu.vector_store_idx %arg6[%gather3A, %add3A_132], %get3A_129 {add = true} : memref<320x256xf32, #tpu.memory_space<vmem>>[vector<16xi32>, vector<16xi32>], vector<16xf32>,
          %get3A_133 = arith.index_cast %while3A_76 : i32 to index
          %get3A_134 = arith.constant 144 : index
          %get3A_135 = tpu.vector_load %arg10[%get3A_133, %get3A_134] {strides = array<i32>} : memref<48x256xf32, #tpu.memory_space<vmem>>, vector<16xf32>,
          %add3A_136 = arith.constant 144 : i32
          %add3A_137 = vector.broadcast %add3A_136 : i32 to vector<16xi32>
          %add3A_138 = arith.addi %add3A_137, %iota3A : vector<16xi32>
          tpu.vector_store_idx %arg6[%gather3A, %add3A_138], %get3A_135 {add = true} : memref<320x256xf32, #tpu.memory_space<vmem>>[vector<16xi32>, vector<16xi32>], vector<16xf32>,
          %get3A_139 = arith.index_cast %while3A_76 : i32 to index
          %get3A_140 = arith.constant 160 : index
          %get3A_141 = tpu.vector_load %arg10[%get3A_139, %get3A_140] {strides = array<i32>} : memref<48x256xf32, #tpu.memory_space<vmem>>, vector<16xf32>,
          %add3A_142 = arith.constant 160 : i32
          %add3A_143 = vector.broadcast %add3A_142 : i32 to vector<16xi32>
          %add3A_144 = arith.addi %add3A_143, %iota3A : vector<16xi32>
          tpu.vector_store_idx %arg6[%gather3A, %add3A_144], %get3A_141 {add = true} : memref<320x256xf32, #tpu.memory_space<vmem>>[vector<16xi32>, vector<16xi32>], vector<16xf32>,
          %get3A_145 = arith.index_cast %while3A_76 : i32 to index
          %get3A_146 = arith.constant 176 : index
          %get3A_147 = tpu.vector_load %arg10[%get3A_145, %get3A_146] {strides = array<i32>} : memref<48x256xf32, #tpu.memory_space<vmem>>, vector<16xf32>,
          %add3A_148 = arith.constant 176 : i32
          %add3A_149 = vector.broadcast %add3A_148 : i32 to vector<16xi32>
          %add3A_150 = arith.addi %add3A_149, %iota3A : vector<16xi32>
          tpu.vector_store_idx %arg6[%gather3A, %add3A_150], %get3A_147 {add = true} : memref<320x256xf32, #tpu.memory_space<vmem>>[vector<16xi32>, vector<16xi32>], vector<16xf32>,
          %get3A_151 = arith.index_cast %while3A_76 : i32 to index
          %get3A_152 = arith.constant 192 : index
          %get3A_153 = tpu.vector_load %arg10[%get3A_151, %get3A_152] {strides = array<i32>} : memref<48x256xf32, #tpu.memory_space<vmem>>, vector<16xf32>,
          %add3A_154 = arith.constant 192 : i32
          %add3A_155 = vector.broadcast %add3A_154 : i32 to vector<16xi32>
          %add3A_156 = arith.addi %add3A_155, %iota3A : vector<16xi32>
          tpu.vector_store_idx %arg6[%gather3A, %add3A_156], %get3A_153 {add = true} : memref<320x256xf32, #tpu.memory_space<vmem>>[vector<16xi32>, vector<16xi32>], vector<16xf32>,
          %get3A_157 = arith.index_cast %while3A_76 : i32 to index
          %get3A_158 = arith.constant 208 : index
          %get3A_159 = tpu.vector_load %arg10[%get3A_157, %get3A_158] {strides = array<i32>} : memref<48x256xf32, #tpu.memory_space<vmem>>, vector<16xf32>,
          %add3A_160 = arith.constant 208 : i32
          %add3A_161 = vector.broadcast %add3A_160 : i32 to vector<16xi32>
          %add3A_162 = arith.addi %add3A_161, %iota3A : vector<16xi32>
          tpu.vector_store_idx %arg6[%gather3A, %add3A_162], %get3A_159 {add = true} : memref<320x256xf32, #tpu.memory_space<vmem>>[vector<16xi32>, vector<16xi32>], vector<16xf32>,
          %get3A_163 = arith.index_cast %while3A_76 : i32 to index
          %get3A_164 = arith.constant 224 : index
          %get3A_165 = tpu.vector_load %arg10[%get3A_163, %get3A_164] {strides = array<i32>} : memref<48x256xf32, #tpu.memory_space<vmem>>, vector<16xf32>,
          %add3A_166 = arith.constant 224 : i32
          %add3A_167 = vector.broadcast %add3A_166 : i32 to vector<16xi32>
          %add3A_168 = arith.addi %add3A_167, %iota3A : vector<16xi32>
          tpu.vector_store_idx %arg6[%gather3A, %add3A_168], %get3A_165 {add = true} : memref<320x256xf32, #tpu.memory_space<vmem>>[vector<16xi32>, vector<16xi32>], vector<16xf32>,
          %get3A_169 = arith.index_cast %while3A_76 : i32 to index
          %get3A_170 = arith.constant 240 : index
          %get3A_171 = tpu.vector_load %arg10[%get3A_169, %get3A_170] {strides = array<i32>} : memref<48x256xf32, #tpu.memory_space<vmem>>, vector<16xf32>,
          %add3A_172 = arith.constant 240 : i32
          %add3A_173 = vector.broadcast %add3A_172 : i32 to vector<16xi32>
          %add3A_174 = arith.addi %add3A_173, %iota3A : vector<16xi32>
          tpu.vector_store_idx %arg6[%gather3A, %add3A_174], %get3A_171 {add = true} : memref<320x256xf32, #tpu.memory_space<vmem>>[vector<16xi32>, vector<16xi32>], vector<16xf32>,
        }
      }
      %while3A_52 = arith.constant 1 : i32
      scf.for %while3A_53 = %while3A_50 to %while3A_46 step %while3A_52  : i32 {
        %mul3A_54 = arith.constant 48 : i32
        %mul3A_55 = arith.muli %while3A_53, %mul3A_54 : i32
        %dma_start3A = tpu.memref_slice %arg8[%mul3A_55] : memref<4032xi32, #tpu.memory_space<vmem>> -> memref<48xi32, #tpu.memory_space<vmem>>
        %dma_start3A_56 = arith.constant 0 : i32
        %dma_start3A_57 = arith.constant 0 : i32
        %dma_start3A_58 = tpu.memref_slice %arg2[%dma_start3A_56, %dma_start3A_57] : memref<160000x256xf32, #tpu.memory_space<hbm>> -> memref<160000x256xf32, #tpu.memory_space<hbm>>
        tpu.enqueue_indirect_dma source(%dma_start3A_58 : memref<160000x256xf32, #tpu.memory_space<hbm>>) target(%arg10 : memref<48x256xf32, #tpu.memory_space<vmem>>) offsets(%dma_start3A : memref<48xi32, #tpu.memory_space<vmem>>) semaphore(%arg11 : memref<!tpu.dma_semaphore, #tpu.memory_space<semaphore_mem>>)
        %dma_wait3A = tpu.memref_slice %arg8[%mul3A_55] : memref<4032xi32, #tpu.memory_space<vmem>> -> memref<48xi32, #tpu.memory_space<vmem>>
        %dma_wait3A_59 = arith.constant 0 : i32
        %dma_wait3A_60 = arith.constant 0 : i32
        %dma_wait3A_61 = tpu.memref_slice %arg2[%dma_wait3A_59, %dma_wait3A_60] : memref<160000x256xf32, #tpu.memory_space<hbm>> -> memref<160000x256xf32, #tpu.memory_space<hbm>>
        tpu.wait_indirect_dma semaphore(%arg11 : memref<!tpu.dma_semaphore, #tpu.memory_space<semaphore_mem>>) src(%dma_wait3A_61 : memref<160000x256xf32, #tpu.memory_space<hbm>>) dst(%arg10 : memref<48x256xf32, #tpu.memory_space<vmem>>)
        %mul3A_62 = arith.constant 48 : i32
        %mul3A_63 = arith.muli %while3A_53, %mul3A_62 : i32
        %sub3A_64 = arith.subi %scan3A_22, %mul3A_63 : i32
        %min3A = arith.constant 48 : i32
        %min3A_65 = arith.minsi %min3A, %sub3A_64 : i32
        %while3A_66 = arith.constant 0 : i32
        %while3A_67 = arith.constant 0 : i32
        %while3A_68 = arith.subi %min3A_65, %while3A_67 : i32
        %while3A_69 = arith.addi %while3A_67, %while3A_68 : i32
        %while3A_70 = arith.constant 1 : i32
        %while3A_71 = arith.divsi %while3A_68, %while3A_70 : i32
        %while3A_72 = arith.muli %while3A_71, %while3A_70 : i32
        %while3A_73 = arith.addi %while3A_67, %while3A_72 : i32
        %while3A_74 = arith.constant 1 : i32
        scf.for %while3A_76 = %while3A_67 to %while3A_73 step %while3A_74  : i32 {
          %mul3A_77 = arith.constant 48 : i32
          %mul3A_78 = arith.muli %while3A_53, %mul3A_77 : i32
          %add3A_79 = arith.addi %mul3A_78, %while3A_76 : i32
          %broadcast_in_dim3A = vector.broadcast %add3A_79 : i32 to vector<16xi32>
          %gather3A = tpu.vector_load_idx %arg9[%broadcast_in_dim3A] : memref<4032xi32, #tpu.memory_space<vmem>>[vector<16xi32>], vector<16xi32>,
          %get3A = arith.index_cast %while3A_76 : i32 to index
          %get3A_80 = arith.constant 0 : index
          %get3A_81 = tpu.vector_load %arg10[%get3A, %get3A_80] {strides = array<i32>} : memref<48x256xf32, #tpu.memory_space<vmem>>, vector<16xf32>,
          %add3A_82 = arith.constant 0 : i32
          %add3A_83 = vector.broadcast %add3A_82 : i32 to vector<16xi32>
          %add3A_84 = arith.addi %add3A_83, %iota3A : vector<16xi32>
          tpu.vector_store_idx %arg6[%gather3A, %add3A_84], %get3A_81 {add = true} : memref<320x256xf32, #tpu.memory_space<vmem>>[vector<16xi32>, vector<16xi32>], vector<16xf32>,
          %get3A_85 = arith.index_cast %while3A_76 : i32 to index
          %get3A_86 = arith.constant 16 : index
          %get3A_87 = tpu.vector_load %arg10[%get3A_85, %get3A_86] {strides = array<i32>} : memref<48x256xf32, #tpu.memory_space<vmem>>, vector<16xf32>,
          %add3A_88 = arith.constant 16 : i32
          %add3A_89 = vector.broadcast %add3A_88 : i32 to vector<16xi32>
          %add3A_90 = arith.addi %add3A_89, %iota3A : vector<16xi32>
          tpu.vector_store_idx %arg6[%gather3A, %add3A_90], %get3A_87 {add = true} : memref<320x256xf32, #tpu.memory_space<vmem>>[vector<16xi32>, vector<16xi32>], vector<16xf32>,
          %get3A_91 = arith.index_cast %while3A_76 : i32 to index
          %get3A_92 = arith.constant 32 : index
          %get3A_93 = tpu.vector_load %arg10[%get3A_91, %get3A_92] {strides = array<i32>} : memref<48x256xf32, #tpu.memory_space<vmem>>, vector<16xf32>,
          %add3A_94 = arith.constant 32 : i32
          %add3A_95 = vector.broadcast %add3A_94 : i32 to vector<16xi32>
          %add3A_96 = arith.addi %add3A_95, %iota3A : vector<16xi32>
          tpu.vector_store_idx %arg6[%gather3A, %add3A_96], %get3A_93 {add = true} : memref<320x256xf32, #tpu.memory_space<vmem>>[vector<16xi32>, vector<16xi32>], vector<16xf32>,
          %get3A_97 = arith.index_cast %while3A_76 : i32 to index
          %get3A_98 = arith.constant 48 : index
          %get3A_99 = tpu.vector_load %arg10[%get3A_97, %get3A_98] {strides = array<i32>} : memref<48x256xf32, #tpu.memory_space<vmem>>, vector<16xf32>,
          %add3A_100 = arith.constant 48 : i32
          %add3A_101 = vector.broadcast %add3A_100 : i32 to vector<16xi32>
          %add3A_102 = arith.addi %add3A_101, %iota3A : vector<16xi32>
          tpu.vector_store_idx %arg6[%gather3A, %add3A_102], %get3A_99 {add = true} : memref<320x256xf32, #tpu.memory_space<vmem>>[vector<16xi32>, vector<16xi32>], vector<16xf32>,
          %get3A_103 = arith.index_cast %while3A_76 : i32 to index
          %get3A_104 = arith.constant 64 : index
          %get3A_105 = tpu.vector_load %arg10[%get3A_103, %get3A_104] {strides = array<i32>} : memref<48x256xf32, #tpu.memory_space<vmem>>, vector<16xf32>,
          %add3A_106 = arith.constant 64 : i32
          %add3A_107 = vector.broadcast %add3A_106 : i32 to vector<16xi32>
          %add3A_108 = arith.addi %add3A_107, %iota3A : vector<16xi32>
          tpu.vector_store_idx %arg6[%gather3A, %add3A_108], %get3A_105 {add = true} : memref<320x256xf32, #tpu.memory_space<vmem>>[vector<16xi32>, vector<16xi32>], vector<16xf32>,
          %get3A_109 = arith.index_cast %while3A_76 : i32 to index
          %get3A_110 = arith.constant 80 : index
          %get3A_111 = tpu.vector_load %arg10[%get3A_109, %get3A_110] {strides = array<i32>} : memref<48x256xf32, #tpu.memory_space<vmem>>, vector<16xf32>,
          %add3A_112 = arith.constant 80 : i32
          %add3A_113 = vector.broadcast %add3A_112 : i32 to vector<16xi32>
          %add3A_114 = arith.addi %add3A_113, %iota3A : vector<16xi32>
          tpu.vector_store_idx %arg6[%gather3A, %add3A_114], %get3A_111 {add = true} : memref<320x256xf32, #tpu.memory_space<vmem>>[vector<16xi32>, vector<16xi32>], vector<16xf32>,
          %get3A_115 = arith.index_cast %while3A_76 : i32 to index
          %get3A_116 = arith.constant 96 : index
          %get3A_117 = tpu.vector_load %arg10[%get3A_115, %get3A_116] {strides = array<i32>} : memref<48x256xf32, #tpu.memory_space<vmem>>, vector<16xf32>,
          %add3A_118 = arith.constant 96 : i32
          %add3A_119 = vector.broadcast %add3A_118 : i32 to vector<16xi32>
          %add3A_120 = arith.addi %add3A_119, %iota3A : vector<16xi32>
          tpu.vector_store_idx %arg6[%gather3A, %add3A_120], %get3A_117 {add = true} : memref<320x256xf32, #tpu.memory_space<vmem>>[vector<16xi32>, vector<16xi32>], vector<16xf32>,
          %get3A_121 = arith.index_cast %while3A_76 : i32 to index
          %get3A_122 = arith.constant 112 : index
          %get3A_123 = tpu.vector_load %arg10[%get3A_121, %get3A_122] {strides = array<i32>} : memref<48x256xf32, #tpu.memory_space<vmem>>, vector<16xf32>,
          %add3A_124 = arith.constant 112 : i32
          %add3A_125 = vector.broadcast %add3A_124 : i32 to vector<16xi32>
          %add3A_126 = arith.addi %add3A_125, %iota3A : vector<16xi32>
          tpu.vector_store_idx %arg6[%gather3A, %add3A_126], %get3A_123 {add = true} : memref<320x256xf32, #tpu.memory_space<vmem>>[vector<16xi32>, vector<16xi32>], vector<16xf32>,
          %get3A_127 = arith.index_cast %while3A_76 : i32 to index
          %get3A_128 = arith.constant 128 : index
          %get3A_129 = tpu.vector_load %arg10[%get3A_127, %get3A_128] {strides = array<i32>} : memref<48x256xf32, #tpu.memory_space<vmem>>, vector<16xf32>,
          %add3A_130 = arith.constant 128 : i32
          %add3A_131 = vector.broadcast %add3A_130 : i32 to vector<16xi32>
          %add3A_132 = arith.addi %add3A_131, %iota3A : vector<16xi32>
          tpu.vector_store_idx %arg6[%gather3A, %add3A_132], %get3A_129 {add = true} : memref<320x256xf32, #tpu.memory_space<vmem>>[vector<16xi32>, vector<16xi32>], vector<16xf32>,
          %get3A_133 = arith.index_cast %while3A_76 : i32 to index
          %get3A_134 = arith.constant 144 : index
          %get3A_135 = tpu.vector_load %arg10[%get3A_133, %get3A_134] {strides = array<i32>} : memref<48x256xf32, #tpu.memory_space<vmem>>, vector<16xf32>,
          %add3A_136 = arith.constant 144 : i32
          %add3A_137 = vector.broadcast %add3A_136 : i32 to vector<16xi32>
          %add3A_138 = arith.addi %add3A_137, %iota3A : vector<16xi32>
          tpu.vector_store_idx %arg6[%gather3A, %add3A_138], %get3A_135 {add = true} : memref<320x256xf32, #tpu.memory_space<vmem>>[vector<16xi32>, vector<16xi32>], vector<16xf32>,
          %get3A_139 = arith.index_cast %while3A_76 : i32 to index
          %get3A_140 = arith.constant 160 : index
          %get3A_141 = tpu.vector_load %arg10[%get3A_139, %get3A_140] {strides = array<i32>} : memref<48x256xf32, #tpu.memory_space<vmem>>, vector<16xf32>,
          %add3A_142 = arith.constant 160 : i32
          %add3A_143 = vector.broadcast %add3A_142 : i32 to vector<16xi32>
          %add3A_144 = arith.addi %add3A_143, %iota3A : vector<16xi32>
          tpu.vector_store_idx %arg6[%gather3A, %add3A_144], %get3A_141 {add = true} : memref<320x256xf32, #tpu.memory_space<vmem>>[vector<16xi32>, vector<16xi32>], vector<16xf32>,
          %get3A_145 = arith.index_cast %while3A_76 : i32 to index
          %get3A_146 = arith.constant 176 : index
          %get3A_147 = tpu.vector_load %arg10[%get3A_145, %get3A_146] {strides = array<i32>} : memref<48x256xf32, #tpu.memory_space<vmem>>, vector<16xf32>,
          %add3A_148 = arith.constant 176 : i32
          %add3A_149 = vector.broadcast %add3A_148 : i32 to vector<16xi32>
          %add3A_150 = arith.addi %add3A_149, %iota3A : vector<16xi32>
          tpu.vector_store_idx %arg6[%gather3A, %add3A_150], %get3A_147 {add = true} : memref<320x256xf32, #tpu.memory_space<vmem>>[vector<16xi32>, vector<16xi32>], vector<16xf32>,
          %get3A_151 = arith.index_cast %while3A_76 : i32 to index
          %get3A_152 = arith.constant 192 : index
          %get3A_153 = tpu.vector_load %arg10[%get3A_151, %get3A_152] {strides = array<i32>} : memref<48x256xf32, #tpu.memory_space<vmem>>, vector<16xf32>,
          %add3A_154 = arith.constant 192 : i32
          %add3A_155 = vector.broadcast %add3A_154 : i32 to vector<16xi32>
          %add3A_156 = arith.addi %add3A_155, %iota3A : vector<16xi32>
          tpu.vector_store_idx %arg6[%gather3A, %add3A_156], %get3A_153 {add = true} : memref<320x256xf32, #tpu.memory_space<vmem>>[vector<16xi32>, vector<16xi32>], vector<16xf32>,
          %get3A_157 = arith.index_cast %while3A_76 : i32 to index
          %get3A_158 = arith.constant 208 : index
          %get3A_159 = tpu.vector_load %arg10[%get3A_157, %get3A_158] {strides = array<i32>} : memref<48x256xf32, #tpu.memory_space<vmem>>, vector<16xf32>,
          %add3A_160 = arith.constant 208 : i32
          %add3A_161 = vector.broadcast %add3A_160 : i32 to vector<16xi32>
          %add3A_162 = arith.addi %add3A_161, %iota3A : vector<16xi32>
          tpu.vector_store_idx %arg6[%gather3A, %add3A_162], %get3A_159 {add = true} : memref<320x256xf32, #tpu.memory_space<vmem>>[vector<16xi32>, vector<16xi32>], vector<16xf32>,
          %get3A_163 = arith.index_cast %while3A_76 : i32 to index
          %get3A_164 = arith.constant 224 : index
          %get3A_165 = tpu.vector_load %arg10[%get3A_163, %get3A_164] {strides = array<i32>} : memref<48x256xf32, #tpu.memory_space<vmem>>, vector<16xf32>,
          %add3A_166 = arith.constant 224 : i32
          %add3A_167 = vector.broadcast %add3A_166 : i32 to vector<16xi32>
          %add3A_168 = arith.addi %add3A_167, %iota3A : vector<16xi32>
          tpu.vector_store_idx %arg6[%gather3A, %add3A_168], %get3A_165 {add = true} : memref<320x256xf32, #tpu.memory_space<vmem>>[vector<16xi32>, vector<16xi32>], vector<16xf32>,
          %get3A_169 = arith.index_cast %while3A_76 : i32 to index
          %get3A_170 = arith.constant 240 : index
          %get3A_171 = tpu.vector_load %arg10[%get3A_169, %get3A_170] {strides = array<i32>} : memref<48x256xf32, #tpu.memory_space<vmem>>, vector<16xf32>,
          %add3A_172 = arith.constant 240 : i32
          %add3A_173 = vector.broadcast %add3A_172 : i32 to vector<16xi32>
          %add3A_174 = arith.addi %add3A_173, %iota3A : vector<16xi32>
          tpu.vector_store_idx %arg6[%gather3A, %add3A_174], %get3A_171 {add = true} : memref<320x256xf32, #tpu.memory_space<vmem>>[vector<16xi32>, vector<16xi32>], vector<16xf32>,
        }
        %while3A_75 = arith.constant 1 : i32
        scf.for %while3A_76 = %while3A_73 to %while3A_69 step %while3A_75  : i32 {
          %mul3A_77 = arith.constant 48 : i32
          %mul3A_78 = arith.muli %while3A_53, %mul3A_77 : i32
          %add3A_79 = arith.addi %mul3A_78, %while3A_76 : i32
          %broadcast_in_dim3A = vector.broadcast %add3A_79 : i32 to vector<16xi32>
          %gather3A = tpu.vector_load_idx %arg9[%broadcast_in_dim3A] : memref<4032xi32, #tpu.memory_space<vmem>>[vector<16xi32>], vector<16xi32>,
          %get3A = arith.index_cast %while3A_76 : i32 to index
          %get3A_80 = arith.constant 0 : index
          %get3A_81 = tpu.vector_load %arg10[%get3A, %get3A_80] {strides = array<i32>} : memref<48x256xf32, #tpu.memory_space<vmem>>, vector<16xf32>,
          %add3A_82 = arith.constant 0 : i32
          %add3A_83 = vector.broadcast %add3A_82 : i32 to vector<16xi32>
          %add3A_84 = arith.addi %add3A_83, %iota3A : vector<16xi32>
          tpu.vector_store_idx %arg6[%gather3A, %add3A_84], %get3A_81 {add = true} : memref<320x256xf32, #tpu.memory_space<vmem>>[vector<16xi32>, vector<16xi32>], vector<16xf32>,
          %get3A_85 = arith.index_cast %while3A_76 : i32 to index
          %get3A_86 = arith.constant 16 : index
          %get3A_87 = tpu.vector_load %arg10[%get3A_85, %get3A_86] {strides = array<i32>} : memref<48x256xf32, #tpu.memory_space<vmem>>, vector<16xf32>,
          %add3A_88 = arith.constant 16 : i32
          %add3A_89 = vector.broadcast %add3A_88 : i32 to vector<16xi32>
          %add3A_90 = arith.addi %add3A_89, %iota3A : vector<16xi32>
          tpu.vector_store_idx %arg6[%gather3A, %add3A_90], %get3A_87 {add = true} : memref<320x256xf32, #tpu.memory_space<vmem>>[vector<16xi32>, vector<16xi32>], vector<16xf32>,
          %get3A_91 = arith.index_cast %while3A_76 : i32 to index
          %get3A_92 = arith.constant 32 : index
          %get3A_93 = tpu.vector_load %arg10[%get3A_91, %get3A_92] {strides = array<i32>} : memref<48x256xf32, #tpu.memory_space<vmem>>, vector<16xf32>,
          %add3A_94 = arith.constant 32 : i32
          %add3A_95 = vector.broadcast %add3A_94 : i32 to vector<16xi32>
          %add3A_96 = arith.addi %add3A_95, %iota3A : vector<16xi32>
          tpu.vector_store_idx %arg6[%gather3A, %add3A_96], %get3A_93 {add = true} : memref<320x256xf32, #tpu.memory_space<vmem>>[vector<16xi32>, vector<16xi32>], vector<16xf32>,
          %get3A_97 = arith.index_cast %while3A_76 : i32 to index
          %get3A_98 = arith.constant 48 : index
          %get3A_99 = tpu.vector_load %arg10[%get3A_97, %get3A_98] {strides = array<i32>} : memref<48x256xf32, #tpu.memory_space<vmem>>, vector<16xf32>,
          %add3A_100 = arith.constant 48 : i32
          %add3A_101 = vector.broadcast %add3A_100 : i32 to vector<16xi32>
          %add3A_102 = arith.addi %add3A_101, %iota3A : vector<16xi32>
          tpu.vector_store_idx %arg6[%gather3A, %add3A_102], %get3A_99 {add = true} : memref<320x256xf32, #tpu.memory_space<vmem>>[vector<16xi32>, vector<16xi32>], vector<16xf32>,
          %get3A_103 = arith.index_cast %while3A_76 : i32 to index
          %get3A_104 = arith.constant 64 : index
          %get3A_105 = tpu.vector_load %arg10[%get3A_103, %get3A_104] {strides = array<i32>} : memref<48x256xf32, #tpu.memory_space<vmem>>, vector<16xf32>,
          %add3A_106 = arith.constant 64 : i32
          %add3A_107 = vector.broadcast %add3A_106 : i32 to vector<16xi32>
          %add3A_108 = arith.addi %add3A_107, %iota3A : vector<16xi32>
          tpu.vector_store_idx %arg6[%gather3A, %add3A_108], %get3A_105 {add = true} : memref<320x256xf32, #tpu.memory_space<vmem>>[vector<16xi32>, vector<16xi32>], vector<16xf32>,
          %get3A_109 = arith.index_cast %while3A_76 : i32 to index
          %get3A_110 = arith.constant 80 : index
          %get3A_111 = tpu.vector_load %arg10[%get3A_109, %get3A_110] {strides = array<i32>} : memref<48x256xf32, #tpu.memory_space<vmem>>, vector<16xf32>,
          %add3A_112 = arith.constant 80 : i32
          %add3A_113 = vector.broadcast %add3A_112 : i32 to vector<16xi32>
          %add3A_114 = arith.addi %add3A_113, %iota3A : vector<16xi32>
          tpu.vector_store_idx %arg6[%gather3A, %add3A_114], %get3A_111 {add = true} : memref<320x256xf32, #tpu.memory_space<vmem>>[vector<16xi32>, vector<16xi32>], vector<16xf32>,
          %get3A_115 = arith.index_cast %while3A_76 : i32 to index
          %get3A_116 = arith.constant 96 : index
          %get3A_117 = tpu.vector_load %arg10[%get3A_115, %get3A_116] {strides = array<i32>} : memref<48x256xf32, #tpu.memory_space<vmem>>, vector<16xf32>,
          %add3A_118 = arith.constant 96 : i32
          %add3A_119 = vector.broadcast %add3A_118 : i32 to vector<16xi32>
          %add3A_120 = arith.addi %add3A_119, %iota3A : vector<16xi32>
          tpu.vector_store_idx %arg6[%gather3A, %add3A_120], %get3A_117 {add = true} : memref<320x256xf32, #tpu.memory_space<vmem>>[vector<16xi32>, vector<16xi32>], vector<16xf32>,
          %get3A_121 = arith.index_cast %while3A_76 : i32 to index
          %get3A_122 = arith.constant 112 : index
          %get3A_123 = tpu.vector_load %arg10[%get3A_121, %get3A_122] {strides = array<i32>} : memref<48x256xf32, #tpu.memory_space<vmem>>, vector<16xf32>,
          %add3A_124 = arith.constant 112 : i32
          %add3A_125 = vector.broadcast %add3A_124 : i32 to vector<16xi32>
          %add3A_126 = arith.addi %add3A_125, %iota3A : vector<16xi32>
          tpu.vector_store_idx %arg6[%gather3A, %add3A_126], %get3A_123 {add = true} : memref<320x256xf32, #tpu.memory_space<vmem>>[vector<16xi32>, vector<16xi32>], vector<16xf32>,
          %get3A_127 = arith.index_cast %while3A_76 : i32 to index
          %get3A_128 = arith.constant 128 : index
          %get3A_129 = tpu.vector_load %arg10[%get3A_127, %get3A_128] {strides = array<i32>} : memref<48x256xf32, #tpu.memory_space<vmem>>, vector<16xf32>,
          %add3A_130 = arith.constant 128 : i32
          %add3A_131 = vector.broadcast %add3A_130 : i32 to vector<16xi32>
          %add3A_132 = arith.addi %add3A_131, %iota3A : vector<16xi32>
          tpu.vector_store_idx %arg6[%gather3A, %add3A_132], %get3A_129 {add = true} : memref<320x256xf32, #tpu.memory_space<vmem>>[vector<16xi32>, vector<16xi32>], vector<16xf32>,
          %get3A_133 = arith.index_cast %while3A_76 : i32 to index
          %get3A_134 = arith.constant 144 : index
          %get3A_135 = tpu.vector_load %arg10[%get3A_133, %get3A_134] {strides = array<i32>} : memref<48x256xf32, #tpu.memory_space<vmem>>, vector<16xf32>,
          %add3A_136 = arith.constant 144 : i32
          %add3A_137 = vector.broadcast %add3A_136 : i32 to vector<16xi32>
          %add3A_138 = arith.addi %add3A_137, %iota3A : vector<16xi32>
          tpu.vector_store_idx %arg6[%gather3A, %add3A_138], %get3A_135 {add = true} : memref<320x256xf32, #tpu.memory_space<vmem>>[vector<16xi32>, vector<16xi32>], vector<16xf32>,
          %get3A_139 = arith.index_cast %while3A_76 : i32 to index
          %get3A_140 = arith.constant 160 : index
          %get3A_141 = tpu.vector_load %arg10[%get3A_139, %get3A_140] {strides = array<i32>} : memref<48x256xf32, #tpu.memory_space<vmem>>, vector<16xf32>,
          %add3A_142 = arith.constant 160 : i32
          %add3A_143 = vector.broadcast %add3A_142 : i32 to vector<16xi32>
          %add3A_144 = arith.addi %add3A_143, %iota3A : vector<16xi32>
          tpu.vector_store_idx %arg6[%gather3A, %add3A_144], %get3A_141 {add = true} : memref<320x256xf32, #tpu.memory_space<vmem>>[vector<16xi32>, vector<16xi32>], vector<16xf32>,
          %get3A_145 = arith.index_cast %while3A_76 : i32 to index
          %get3A_146 = arith.constant 176 : index
          %get3A_147 = tpu.vector_load %arg10[%get3A_145, %get3A_146] {strides = array<i32>} : memref<48x256xf32, #tpu.memory_space<vmem>>, vector<16xf32>,
          %add3A_148 = arith.constant 176 : i32
          %add3A_149 = vector.broadcast %add3A_148 : i32 to vector<16xi32>
          %add3A_150 = arith.addi %add3A_149, %iota3A : vector<16xi32>
          tpu.vector_store_idx %arg6[%gather3A, %add3A_150], %get3A_147 {add = true} : memref<320x256xf32, #tpu.memory_space<vmem>>[vector<16xi32>, vector<16xi32>], vector<16xf32>,
          %get3A_151 = arith.index_cast %while3A_76 : i32 to index
          %get3A_152 = arith.constant 192 : index
          %get3A_153 = tpu.vector_load %arg10[%get3A_151, %get3A_152] {strides = array<i32>} : memref<48x256xf32, #tpu.memory_space<vmem>>, vector<16xf32>,
          %add3A_154 = arith.constant 192 : i32
          %add3A_155 = vector.broadcast %add3A_154 : i32 to vector<16xi32>
          %add3A_156 = arith.addi %add3A_155, %iota3A : vector<16xi32>
          tpu.vector_store_idx %arg6[%gather3A, %add3A_156], %get3A_153 {add = true} : memref<320x256xf32, #tpu.memory_space<vmem>>[vector<16xi32>, vector<16xi32>], vector<16xf32>,
          %get3A_157 = arith.index_cast %while3A_76 : i32 to index
          %get3A_158 = arith.constant 208 : index
          %get3A_159 = tpu.vector_load %arg10[%get3A_157, %get3A_158] {strides = array<i32>} : memref<48x256xf32, #tpu.memory_space<vmem>>, vector<16xf32>,
          %add3A_160 = arith.constant 208 : i32
          %add3A_161 = vector.broadcast %add3A_160 : i32 to vector<16xi32>
          %add3A_162 = arith.addi %add3A_161, %iota3A : vector<16xi32>
          tpu.vector_store_idx %arg6[%gather3A, %add3A_162], %get3A_159 {add = true} : memref<320x256xf32, #tpu.memory_space<vmem>>[vector<16xi32>, vector<16xi32>], vector<16xf32>,
          %get3A_163 = arith.index_cast %while3A_76 : i32 to index
          %get3A_164 = arith.constant 224 : index
          %get3A_165 = tpu.vector_load %arg10[%get3A_163, %get3A_164] {strides = array<i32>} : memref<48x256xf32, #tpu.memory_space<vmem>>, vector<16xf32>,
          %add3A_166 = arith.constant 224 : i32
          %add3A_167 = vector.broadcast %add3A_166 : i32 to vector<16xi32>
          %add3A_168 = arith.addi %add3A_167, %iota3A : vector<16xi32>
          tpu.vector_store_idx %arg6[%gather3A, %add3A_168], %get3A_165 {add = true} : memref<320x256xf32, #tpu.memory_space<vmem>>[vector<16xi32>, vector<16xi32>], vector<16xf32>,
          %get3A_169 = arith.index_cast %while3A_76 : i32 to index
          %get3A_170 = arith.constant 240 : index
          %get3A_171 = tpu.vector_load %arg10[%get3A_169, %get3A_170] {strides = array<i32>} : memref<48x256xf32, #tpu.memory_space<vmem>>, vector<16xf32>,
          %add3A_172 = arith.constant 240 : i32
          %add3A_173 = vector.broadcast %add3A_172 : i32 to vector<16xi32>
          %add3A_174 = arith.addi %add3A_173, %iota3A : vector<16xi32>
          tpu.vector_store_idx %arg6[%gather3A, %add3A_174], %get3A_171 {add = true} : memref<320x256xf32, #tpu.memory_space<vmem>>[vector<16xi32>, vector<16xi32>], vector<16xf32>,
        }
      }
    }
    %scan3A_13 = arith.constant 40 : i32
    "tpu.region"() ({
      %run_scoped3A = tpu.sem_alloc : memref<!tpu.dma_semaphore, #tpu.memory_space<semaphore_mem>>
      %dma_start3A = arith.constant 0 : i32
      %dma_start3A_14 = tpu.memref_slice %arg5[%mul3A_2, %dma_start3A] : memref<10240x256xf32, #tpu.memory_space<hbm>> -> memref<320x256xf32, #tpu.memory_space<hbm>>
      %dma_start3A_15 = arith.constant 0 : i32
      %dma_start3A_16 = tpu.memref_slice %arg5[%mul3A_2, %dma_start3A_15] : memref<10240x256xf32, #tpu.memory_space<hbm>> -> memref<320x256xf32, #tpu.memory_space<hbm>>
      tpu.enqueue_dma source(%arg6 : memref<320x256xf32, #tpu.memory_space<vmem>>) target(%dma_start3A_16 : memref<320x256xf32, #tpu.memory_space<hbm>>) target_semaphore(%run_scoped3A : memref<!tpu.dma_semaphore, #tpu.memory_space<semaphore_mem>>)
      %dma_wait3A = arith.constant 0 : i32
      %dma_wait3A_17 = tpu.memref_slice %arg5[%mul3A_2, %dma_wait3A] : memref<10240x256xf32, #tpu.memory_space<hbm>> -> memref<320x256xf32, #tpu.memory_space<hbm>>
      %dma_wait3A_18 = arith.constant 0 : i32
      %dma_wait3A_19 = tpu.memref_slice %arg5[%mul3A_2, %dma_wait3A_18] : memref<10240x256xf32, #tpu.memory_space<hbm>> -> memref<320x256xf32, #tpu.memory_space<hbm>>
      tpu.wait_dma2 semaphore(%run_scoped3A : memref<!tpu.dma_semaphore, #tpu.memory_space<semaphore_mem>>) src(%arg6 : memref<320x256xf32, #tpu.memory_space<vmem>>) dst(%dma_wait3A_19 : memref<320x256xf32, #tpu.memory_space<hbm>>)
      tpu.yield
    }) : () -> ()
    return
  }
}

#map = affine_map<(d0, d1) -> (0, 0)>
#map1 = affine_map<(d0, d1) -> (0, 0, 0)>
module attributes {stable_mosaic.version = 14 : i64} {
  func.func @gk(%arg0: i32, %arg1: i32, %arg2: memref<10000x256xf32, #tpu.memory_space<hbm>>, %arg3: memref<32x125x40xi32, #tpu.memory_space<hbm>>, %arg4: memref<160000x256xf32, #tpu.memory_space<hbm>>, %arg5: memref<125x40xi32, #tpu.memory_space<vmem>>, %arg6: memref<40x256xf32, #tpu.memory_space<vmem>>, %arg7: memref<!tpu.dma_semaphore, #tpu.memory_space<semaphore_mem>>) attributes {dimension_semantics = [#tpu.dimension_semantics<core_parallel>, #tpu.dimension_semantics<subcore_parallel>], iteration_bounds = array<i64: 2, 16>, scalar_prefetch = 0 : i64, scratch_operands = 3 : i64, tpu.core_type = #tpu.core_type<sc_vector_subcore>, window_params = [{transform_indices = #map}, {transform_indices = #map1}, {transform_indices = #map}]} {
    %mul3A = arith.constant 16 : i32
    %mul3A_0 = arith.muli %arg0, %mul3A : i32
    %add3A = arith.addi %mul3A_0, %arg1 : i32
    "tpu.region"() ({
      %run_scoped3A = tpu.sem_alloc : memref<!tpu.dma_semaphore, #tpu.memory_space<semaphore_mem>>
      %dma_start3A = arith.constant 0 : i32
      %dma_start3A_10 = arith.constant 0 : i32
      %dma_start3A_11 = tpu.memref_slice %arg3[%add3A, %dma_start3A, %dma_start3A_10] : memref<32x125x40xi32, #tpu.memory_space<hbm>> -> memref<1x125x40xi32, #tpu.memory_space<hbm>>
      %dma_start3A_12 = tpu.memref_squeeze %dma_start3A_11 : memref<1x125x40xi32, #tpu.memory_space<hbm>> -> memref<125x40xi32, #tpu.memory_space<hbm>>
      %dma_start3A_13 = arith.constant 0 : i32
      %dma_start3A_14 = arith.constant 0 : i32
      %dma_start3A_15 = tpu.memref_slice %arg3[%add3A, %dma_start3A_13, %dma_start3A_14] : memref<32x125x40xi32, #tpu.memory_space<hbm>> -> memref<1x125x40xi32, #tpu.memory_space<hbm>>
      %dma_start3A_16 = tpu.memref_squeeze %dma_start3A_15 : memref<1x125x40xi32, #tpu.memory_space<hbm>> -> memref<125x40xi32, #tpu.memory_space<hbm>>
      tpu.enqueue_dma source(%dma_start3A_16 : memref<125x40xi32, #tpu.memory_space<hbm>>) target(%arg5 : memref<125x40xi32, #tpu.memory_space<vmem>>) target_semaphore(%run_scoped3A : memref<!tpu.dma_semaphore, #tpu.memory_space<semaphore_mem>>)
      %dma_wait3A = arith.constant 0 : i32
      %dma_wait3A_17 = arith.constant 0 : i32
      %dma_wait3A_18 = tpu.memref_slice %arg3[%add3A, %dma_wait3A, %dma_wait3A_17] : memref<32x125x40xi32, #tpu.memory_space<hbm>> -> memref<1x125x40xi32, #tpu.memory_space<hbm>>
      %dma_wait3A_19 = tpu.memref_squeeze %dma_wait3A_18 : memref<1x125x40xi32, #tpu.memory_space<hbm>> -> memref<125x40xi32, #tpu.memory_space<hbm>>
      %dma_wait3A_20 = arith.constant 0 : i32
      %dma_wait3A_21 = arith.constant 0 : i32
      %dma_wait3A_22 = tpu.memref_slice %arg3[%add3A, %dma_wait3A_20, %dma_wait3A_21] : memref<32x125x40xi32, #tpu.memory_space<hbm>> -> memref<1x125x40xi32, #tpu.memory_space<hbm>>
      %dma_wait3A_23 = tpu.memref_squeeze %dma_wait3A_22 : memref<1x125x40xi32, #tpu.memory_space<hbm>> -> memref<125x40xi32, #tpu.memory_space<hbm>>
      tpu.wait_dma2 semaphore(%run_scoped3A : memref<!tpu.dma_semaphore, #tpu.memory_space<semaphore_mem>>) src(%dma_wait3A_23 : memref<125x40xi32, #tpu.memory_space<hbm>>) dst(%arg5 : memref<125x40xi32, #tpu.memory_space<vmem>>)
      tpu.yield
    }) : () -> ()
    %mul3A_1 = arith.constant 125 : i32
    %mul3A_2 = arith.muli %add3A, %mul3A_1 : i32
    %mul3A_3 = arith.constant 40 : i32
    %mul3A_4 = arith.muli %mul3A_2, %mul3A_3 : i32
    %scan3A = arith.constant 0 : i32
    %scan3A_5 = arith.constant 0 : i32
    %scan3A_6 = arith.constant 125 : i32
    %scan3A_7 = arith.addi %scan3A_5, %scan3A_6 : i32
    %scan3A_8 = arith.constant 1 : i32
    scf.for %scan3A_10 = %scan3A_5 to %scan3A_7 step %scan3A_8  : i32 {
      %dma_start3A = arith.constant 0 : i32
      %dma_start3A_11 = tpu.memref_slice %arg5[%scan3A_10, %dma_start3A] : memref<125x40xi32, #tpu.memory_space<vmem>> -> memref<1x40xi32, #tpu.memory_space<vmem>>
      %dma_start3A_12 = tpu.memref_squeeze %dma_start3A_11 : memref<1x40xi32, #tpu.memory_space<vmem>> -> memref<40xi32, #tpu.memory_space<vmem>>
      %dma_start3A_13 = arith.constant 0 : i32
      %dma_start3A_14 = arith.constant 0 : i32
      %dma_start3A_15 = tpu.memref_slice %arg2[%dma_start3A_13, %dma_start3A_14] : memref<10000x256xf32, #tpu.memory_space<hbm>> -> memref<10000x256xf32, #tpu.memory_space<hbm>>
      tpu.enqueue_indirect_dma source(%dma_start3A_15 : memref<10000x256xf32, #tpu.memory_space<hbm>>) target(%arg6 : memref<40x256xf32, #tpu.memory_space<vmem>>) offsets(%dma_start3A_12 : memref<40xi32, #tpu.memory_space<vmem>>) semaphore(%arg7 : memref<!tpu.dma_semaphore, #tpu.memory_space<semaphore_mem>>)
      %dma_wait3A = arith.constant 0 : i32
      %dma_wait3A_16 = tpu.memref_slice %arg5[%scan3A_10, %dma_wait3A] : memref<125x40xi32, #tpu.memory_space<vmem>> -> memref<1x40xi32, #tpu.memory_space<vmem>>
      %dma_wait3A_17 = tpu.memref_squeeze %dma_wait3A_16 : memref<1x40xi32, #tpu.memory_space<vmem>> -> memref<40xi32, #tpu.memory_space<vmem>>
      %dma_wait3A_18 = arith.constant 0 : i32
      %dma_wait3A_19 = arith.constant 0 : i32
      %dma_wait3A_20 = tpu.memref_slice %arg2[%dma_wait3A_18, %dma_wait3A_19] : memref<10000x256xf32, #tpu.memory_space<hbm>> -> memref<10000x256xf32, #tpu.memory_space<hbm>>
      tpu.wait_indirect_dma semaphore(%arg7 : memref<!tpu.dma_semaphore, #tpu.memory_space<semaphore_mem>>) src(%dma_wait3A_20 : memref<10000x256xf32, #tpu.memory_space<hbm>>) dst(%arg6 : memref<40x256xf32, #tpu.memory_space<vmem>>)
      %mul3A_21 = arith.constant 40 : i32
      %mul3A_22 = arith.muli %scan3A_10, %mul3A_21 : i32
      %add3A_23 = arith.addi %mul3A_4, %mul3A_22 : i32
      "tpu.region"() ({
        %run_scoped3A = tpu.sem_alloc : memref<!tpu.dma_semaphore, #tpu.memory_space<semaphore_mem>>
        %dma_start3A_24 = arith.constant 0 : i32
        %dma_start3A_25 = tpu.memref_slice %arg4[%add3A_23, %dma_start3A_24] : memref<160000x256xf32, #tpu.memory_space<hbm>> -> memref<40x256xf32, #tpu.memory_space<hbm>>
        %dma_start3A_26 = arith.constant 0 : i32
        %dma_start3A_27 = tpu.memref_slice %arg4[%add3A_23, %dma_start3A_26] : memref<160000x256xf32, #tpu.memory_space<hbm>> -> memref<40x256xf32, #tpu.memory_space<hbm>>
        tpu.enqueue_dma source(%arg6 : memref<40x256xf32, #tpu.memory_space<vmem>>) target(%dma_start3A_27 : memref<40x256xf32, #tpu.memory_space<hbm>>) target_semaphore(%run_scoped3A : memref<!tpu.dma_semaphore, #tpu.memory_space<semaphore_mem>>)
        %dma_wait3A_28 = arith.constant 0 : i32
        %dma_wait3A_29 = tpu.memref_slice %arg4[%add3A_23, %dma_wait3A_28] : memref<160000x256xf32, #tpu.memory_space<hbm>> -> memref<40x256xf32, #tpu.memory_space<hbm>>
        %dma_wait3A_30 = arith.constant 0 : i32
        %dma_wait3A_31 = tpu.memref_slice %arg4[%add3A_23, %dma_wait3A_30] : memref<160000x256xf32, #tpu.memory_space<hbm>> -> memref<40x256xf32, #tpu.memory_space<hbm>>
        tpu.wait_dma2 semaphore(%run_scoped3A : memref<!tpu.dma_semaphore, #tpu.memory_space<semaphore_mem>>) src(%arg6 : memref<40x256xf32, #tpu.memory_space<vmem>>) dst(%dma_wait3A_31 : memref<40x256xf32, #tpu.memory_space<hbm>>)
        tpu.yield
      }) : () -> ()
    }
    %scan3A_9 = arith.constant 125 : i32
    return
  }
}

module attributes {stable_mosaic.version = 14 : i64} {
  func.func @_xa_body(%arg0: i32, %arg1: memref<1000x256xf32, #tpu.memory_space<vmem>>, %arg2: memref<256x256xf32, #tpu.memory_space<vmem>>, %arg3: memref<1000x256xf32, #tpu.memory_space<vmem>>) attributes {dimension_semantics = [#tpu.dimension_semantics<arbitrary>], iteration_bounds = array<i64: 10>, scalar_prefetch = 0 : i64, scratch_operands = 0 : i64, tpu.core_type = #tpu.core_type<tc>, window_params = [{transform_indices = @transform_0, window_bounds = array<i64: 1000, 256>}, {pipeline_mode = #tpu.pipeline_mode<synchronous>, transform_indices = @transform_1, window_bounds = array<i64: 256, 256>}, {transform_indices = @transform_2, window_bounds = array<i64: 1000, 256>}]} {
    %get3A = arith.constant 0 : index
    %get3A_0 = arith.constant 0 : index
    %get3A_1 = vector.load %arg1[%get3A, %get3A_0] : memref<1000x256xf32, #tpu.memory_space<vmem>>, vector<1000x256xf32>
    %get3A_2 = arith.constant 0 : index
    %get3A_3 = arith.constant 0 : index
    %get3A_4 = vector.load %arg2[%get3A_2, %get3A_3] : memref<256x256xf32, #tpu.memory_space<vmem>>, vector<256x256xf32>
    %dot_general3A = arith.constant dense<0.000000e+00> : vector<1000x256xf32>
    %dot_general3A_5 = tpu.matmul %get3A_1, %get3A_4, %dot_general3A {dimension_numbers = #tpu.dot_dimension_numbers<[1], [0], [0], [1], [0, 0, 1, 1], [], []>, transpose_lhs_hint = false} : vector<1000x256xf32>, vector<256x256xf32>, vector<1000x256xf32> -> vector<1000x256xf32>
    %swap3A = arith.constant 0 : index
    %swap3A_6 = arith.constant 0 : index
    %swap3A_7 = vector.load %arg3[%swap3A, %swap3A_6] : memref<1000x256xf32, #tpu.memory_space<vmem>>, vector<1000x256xf32>
    tpu.vector_store %arg3[%swap3A, %swap3A_6], %dot_general3A_5 {strides = array<i32>} : memref<1000x256xf32, #tpu.memory_space<vmem>>, vector<1000x256xf32>,
    return
  }
  func.func @transform_0(%arg0: i32) -> (i32, i32) {
    %c0_i32 = arith.constant 0 : i32
    %c0_i32_0 = arith.constant 0 : i32
    return %arg0, %c0_i32 : i32, i32
  }
  func.func @transform_1(%arg0: i32) -> (i32, i32) {
    %c0_i32 = arith.constant 0 : i32
    %c0_i32_0 = arith.constant 0 : i32
    %c0_i32_1 = arith.constant 0 : i32
    return %c0_i32, %c0_i32_0 : i32, i32
  }
  func.func @transform_2(%arg0: i32) -> (i32, i32) {
    %c0_i32 = arith.constant 0 : i32
    %c0_i32_0 = arith.constant 0 : i32
    return %arg0, %c0_i32 : i32, i32
  }
}

module attributes {stable_mosaic.version = 14 : i64} {
  func.func @_edge_body(%arg0: i32, %arg1: memref<1280x256xf32, #tpu.memory_space<vmem>>, %arg2: memref<1280x256xf32, #tpu.memory_space<vmem>>, %arg3: memref<256x256xf32, #tpu.memory_space<vmem>>, %arg4: memref<1x256xf32, #tpu.memory_space<vmem>>, %arg5: memref<1x256xf32, #tpu.memory_space<vmem>>, %arg6: memref<1x256xf32, #tpu.memory_space<vmem>>, %arg7: memref<256x256xf32, #tpu.memory_space<vmem>>, %arg8: memref<1x256xf32, #tpu.memory_space<vmem>>, %arg9: memref<1x256xf32, #tpu.memory_space<vmem>>, %arg10: memref<1x256xf32, #tpu.memory_space<vmem>>, %arg11: memref<256x256xf32, #tpu.memory_space<vmem>>, %arg12: memref<1x256xf32, #tpu.memory_space<vmem>>, %arg13: memref<1x256xf32, #tpu.memory_space<vmem>>, %arg14: memref<1x256xf32, #tpu.memory_space<vmem>>, %arg15: memref<1280x256xf32, #tpu.memory_space<vmem>>) attributes {dimension_semantics = [#tpu.dimension_semantics<arbitrary>], iteration_bounds = array<i64: 125>, scalar_prefetch = 0 : i64, scratch_operands = 0 : i64, tpu.core_type = #tpu.core_type<tc>, window_params = [{transform_indices = @transform_0, window_bounds = array<i64: 1280, 256>}, {transform_indices = @transform_1, window_bounds = array<i64: 1280, 256>}, {pipeline_mode = #tpu.pipeline_mode<synchronous>, transform_indices = @transform_2, window_bounds = array<i64: 256, 256>}, {pipeline_mode = #tpu.pipeline_mode<synchronous>, transform_indices = @transform_3, window_bounds = array<i64: 1, 256>}, {pipeline_mode = #tpu.pipeline_mode<synchronous>, transform_indices = @transform_4, window_bounds = array<i64: 1, 256>}, {pipeline_mode = #tpu.pipeline_mode<synchronous>, transform_indices = @transform_5, window_bounds = array<i64: 1, 256>}, {pipeline_mode = #tpu.pipeline_mode<synchronous>, transform_indices = @transform_6, window_bounds = array<i64: 256, 256>}, {pipeline_mode = #tpu.pipeline_mode<synchronous>, transform_indices = @transform_7, window_bounds = array<i64: 1, 256>}, {pipeline_mode = #tpu.pipeline_mode<synchronous>, transform_indices = @transform_8, window_bounds = array<i64: 1, 256>}, {pipeline_mode = #tpu.pipeline_mode<synchronous>, transform_indices = @transform_9, window_bounds = array<i64: 1, 256>}, {pipeline_mode = #tpu.pipeline_mode<synchronous>, transform_indices = @transform_10, window_bounds = array<i64: 256, 256>}, {pipeline_mode = #tpu.pipeline_mode<synchronous>, transform_indices = @transform_11, window_bounds = array<i64: 1, 256>}, {pipeline_mode = #tpu.pipeline_mode<synchronous>, transform_indices = @transform_12, window_bounds = array<i64: 1, 256>}, {pipeline_mode = #tpu.pipeline_mode<synchronous>, transform_indices = @transform_13, window_bounds = array<i64: 1, 256>}, {transform_indices = @transform_14, window_bounds = array<i64: 1280, 256>}]} {
    %get3A = arith.constant 0 : index
    %get3A_0 = arith.constant 0 : index
    %get3A_1 = vector.load %arg1[%get3A, %get3A_0] : memref<1280x256xf32, #tpu.memory_space<vmem>>, vector<1280x256xf32>
    %get3A_2 = arith.constant 0 : index
    %get3A_3 = arith.constant 0 : index
    %get3A_4 = vector.load %arg3[%get3A_2, %get3A_3] : memref<256x256xf32, #tpu.memory_space<vmem>>, vector<256x256xf32>
    %dot_general3A = arith.constant dense<0.000000e+00> : vector<1280x256xf32>
    %dot_general3A_5 = tpu.matmul %get3A_1, %get3A_4, %dot_general3A {dimension_numbers = #tpu.dot_dimension_numbers<[1], [0], [0], [1], [0, 0, 1, 1], [], []>, transpose_lhs_hint = false} : vector<1280x256xf32>, vector<256x256xf32>, vector<1280x256xf32> -> vector<1280x256xf32>
    %get3A_6 = arith.constant 0 : index
    %get3A_7 = arith.constant 0 : index
    %get3A_8 = vector.load %arg2[%get3A_6, %get3A_7] : memref<1280x256xf32, #tpu.memory_space<vmem>>, vector<1280x256xf32>
    %add3A = arith.addf %dot_general3A_5, %get3A_8 : vector<1280x256xf32>
    %get3A_9 = arith.constant 0 : index
    %get3A_10 = arith.constant 0 : index
    %get3A_11 = vector.load %arg4[%get3A_9, %get3A_10] : memref<1x256xf32, #tpu.memory_space<vmem>>, vector<1x256xf32>
    %add3A_12 = vector.broadcast %get3A_11 : vector<1x256xf32> to vector<1280x256xf32>
    %add3A_13 = arith.addf %add3A, %add3A_12 : vector<1280x256xf32>
    %get3A_14 = arith.constant 0 : index
    %get3A_15 = arith.constant 0 : index
    %get3A_16 = vector.load %arg5[%get3A_14, %get3A_15] : memref<1x256xf32, #tpu.memory_space<vmem>>, vector<1x256xf32>
    %get3A_17 = arith.constant 0 : index
    %get3A_18 = arith.constant 0 : index
    %get3A_19 = vector.load %arg6[%get3A_17, %get3A_18] : memref<1x256xf32, #tpu.memory_space<vmem>>, vector<1x256xf32>
    %reduce_sum3A = arith.constant dense<0.000000e+00> : vector<1280xf32>
    %reduce_sum3A_20 = vector.multi_reduction <add>, %add3A_13, %reduce_sum3A [1] : vector<1280x256xf32> to vector<1280xf32>
    %broadcast_in_dim3A = vector.shape_cast %reduce_sum3A_20 : vector<1280xf32> to vector<1280x1xf32>
    %div3A = arith.constant 2.560000e+02 : f32
    %div3A_21 = vector.broadcast %div3A : f32 to vector<1280x1xf32>
    %div3A_22 = arith.divf %broadcast_in_dim3A, %div3A_21 : vector<1280x1xf32>
    %sub3A = vector.broadcast %div3A_22 : vector<1280x1xf32> to vector<1280x256xf32>
    %sub3A_23 = arith.subf %add3A_13, %sub3A : vector<1280x256xf32>
    %integer_pow3A = arith.mulf %sub3A_23, %sub3A_23 : vector<1280x256xf32>
    %reduce_sum3A_24 = arith.constant dense<0.000000e+00> : vector<1280xf32>
    %reduce_sum3A_25 = vector.multi_reduction <add>, %integer_pow3A, %reduce_sum3A_24 [1] : vector<1280x256xf32> to vector<1280xf32>
    %broadcast_in_dim3A_26 = vector.shape_cast %reduce_sum3A_25 : vector<1280xf32> to vector<1280x1xf32>
    %div3A_27 = arith.constant 2.560000e+02 : f32
    %div3A_28 = vector.broadcast %div3A_27 : f32 to vector<1280x1xf32>
    %div3A_29 = arith.divf %broadcast_in_dim3A_26, %div3A_28 : vector<1280x1xf32>
    %sub3A_30 = vector.broadcast %div3A_22 : vector<1280x1xf32> to vector<1280x256xf32>
    %sub3A_31 = arith.subf %add3A_13, %sub3A_30 : vector<1280x256xf32>
    %add3A_32 = arith.constant 9.99999974E-6 : f32
    %add3A_33 = vector.broadcast %add3A_32 : f32 to vector<1280x1xf32>
    %add3A_34 = arith.addf %div3A_29, %add3A_33 : vector<1280x1xf32>
    %sqrt3A = math.sqrt %add3A_34 : vector<1280x1xf32>
    %div3A_35 = vector.broadcast %sqrt3A : vector<1280x1xf32> to vector<1280x256xf32>
    %div3A_36 = arith.divf %sub3A_31, %div3A_35 : vector<1280x256xf32>
    %mul3A = vector.broadcast %get3A_16 : vector<1x256xf32> to vector<1280x256xf32>
    %mul3A_37 = arith.mulf %div3A_36, %mul3A : vector<1280x256xf32>
    %add3A_38 = vector.broadcast %get3A_19 : vector<1x256xf32> to vector<1280x256xf32>
    %add3A_39 = arith.addf %mul3A_37, %add3A_38 : vector<1280x256xf32>
    %max3A = arith.constant 0.000000e+00 : f32
    %max3A_40 = vector.broadcast %max3A : f32 to vector<1280x256xf32>
    %max3A_41 = arith.maximumf %add3A_39, %max3A_40 : vector<1280x256xf32>
    %get3A_42 = arith.constant 0 : index
    %get3A_43 = arith.constant 0 : index
    %get3A_44 = vector.load %arg7[%get3A_42, %get3A_43] : memref<256x256xf32, #tpu.memory_space<vmem>>, vector<256x256xf32>
    %dot_general3A_45 = arith.constant dense<0.000000e+00> : vector<1280x256xf32>
    %dot_general3A_46 = tpu.matmul %max3A_41, %get3A_44, %dot_general3A_45 {dimension_numbers = #tpu.dot_dimension_numbers<[1], [0], [0], [1], [0, 0, 1, 1], [], []>, transpose_lhs_hint = false} : vector<1280x256xf32>, vector<256x256xf32>, vector<1280x256xf32> -> vector<1280x256xf32>
    %get3A_47 = arith.constant 0 : index
    %get3A_48 = arith.constant 0 : index
    %get3A_49 = vector.load %arg8[%get3A_47, %get3A_48] : memref<1x256xf32, #tpu.memory_space<vmem>>, vector<1x256xf32>
    %add3A_50 = vector.broadcast %get3A_49 : vector<1x256xf32> to vector<1280x256xf32>
    %add3A_51 = arith.addf %dot_general3A_46, %add3A_50 : vector<1280x256xf32>
    %get3A_52 = arith.constant 0 : index
    %get3A_53 = arith.constant 0 : index
    %get3A_54 = vector.load %arg9[%get3A_52, %get3A_53] : memref<1x256xf32, #tpu.memory_space<vmem>>, vector<1x256xf32>
    %get3A_55 = arith.constant 0 : index
    %get3A_56 = arith.constant 0 : index
    %get3A_57 = vector.load %arg10[%get3A_55, %get3A_56] : memref<1x256xf32, #tpu.memory_space<vmem>>, vector<1x256xf32>
    %reduce_sum3A_58 = arith.constant dense<0.000000e+00> : vector<1280xf32>
    %reduce_sum3A_59 = vector.multi_reduction <add>, %add3A_51, %reduce_sum3A_58 [1] : vector<1280x256xf32> to vector<1280xf32>
    %broadcast_in_dim3A_60 = vector.shape_cast %reduce_sum3A_59 : vector<1280xf32> to vector<1280x1xf32>
    %div3A_61 = arith.constant 2.560000e+02 : f32
    %div3A_62 = vector.broadcast %div3A_61 : f32 to vector<1280x1xf32>
    %div3A_63 = arith.divf %broadcast_in_dim3A_60, %div3A_62 : vector<1280x1xf32>
    %sub3A_64 = vector.broadcast %div3A_63 : vector<1280x1xf32> to vector<1280x256xf32>
    %sub3A_65 = arith.subf %add3A_51, %sub3A_64 : vector<1280x256xf32>
    %integer_pow3A_66 = arith.mulf %sub3A_65, %sub3A_65 : vector<1280x256xf32>
    %reduce_sum3A_67 = arith.constant dense<0.000000e+00> : vector<1280xf32>
    %reduce_sum3A_68 = vector.multi_reduction <add>, %integer_pow3A_66, %reduce_sum3A_67 [1] : vector<1280x256xf32> to vector<1280xf32>
    %broadcast_in_dim3A_69 = vector.shape_cast %reduce_sum3A_68 : vector<1280xf32> to vector<1280x1xf32>
    %div3A_70 = arith.constant 2.560000e+02 : f32
    %div3A_71 = vector.broadcast %div3A_70 : f32 to vector<1280x1xf32>
    %div3A_72 = arith.divf %broadcast_in_dim3A_69, %div3A_71 : vector<1280x1xf32>
    %sub3A_73 = vector.broadcast %div3A_63 : vector<1280x1xf32> to vector<1280x256xf32>
    %sub3A_74 = arith.subf %add3A_51, %sub3A_73 : vector<1280x256xf32>
    %add3A_75 = arith.constant 9.99999974E-6 : f32
    %add3A_76 = vector.broadcast %add3A_75 : f32 to vector<1280x1xf32>
    %add3A_77 = arith.addf %div3A_72, %add3A_76 : vector<1280x1xf32>
    %sqrt3A_78 = math.sqrt %add3A_77 : vector<1280x1xf32>
    %div3A_79 = vector.broadcast %sqrt3A_78 : vector<1280x1xf32> to vector<1280x256xf32>
    %div3A_80 = arith.divf %sub3A_74, %div3A_79 : vector<1280x256xf32>
    %mul3A_81 = vector.broadcast %get3A_54 : vector<1x256xf32> to vector<1280x256xf32>
    %mul3A_82 = arith.mulf %div3A_80, %mul3A_81 : vector<1280x256xf32>
    %add3A_83 = vector.broadcast %get3A_57 : vector<1x256xf32> to vector<1280x256xf32>
    %add3A_84 = arith.addf %mul3A_82, %add3A_83 : vector<1280x256xf32>
    %max3A_85 = arith.constant 0.000000e+00 : f32
    %max3A_86 = vector.broadcast %max3A_85 : f32 to vector<1280x256xf32>
    %max3A_87 = arith.maximumf %add3A_84, %max3A_86 : vector<1280x256xf32>
    %get3A_88 = arith.constant 0 : index
    %get3A_89 = arith.constant 0 : index
    %get3A_90 = vector.load %arg11[%get3A_88, %get3A_89] : memref<256x256xf32, #tpu.memory_space<vmem>>, vector<256x256xf32>
    %dot_general3A_91 = arith.constant dense<0.000000e+00> : vector<1280x256xf32>
    %dot_general3A_92 = tpu.matmul %max3A_87, %get3A_90, %dot_general3A_91 {dimension_numbers = #tpu.dot_dimension_numbers<[1], [0], [0], [1], [0, 0, 1, 1], [], []>, transpose_lhs_hint = false} : vector<1280x256xf32>, vector<256x256xf32>, vector<1280x256xf32> -> vector<1280x256xf32>
    %get3A_93 = arith.constant 0 : index
    %get3A_94 = arith.constant 0 : index
    %get3A_95 = vector.load %arg12[%get3A_93, %get3A_94] : memref<1x256xf32, #tpu.memory_space<vmem>>, vector<1x256xf32>
    %add3A_96 = vector.broadcast %get3A_95 : vector<1x256xf32> to vector<1280x256xf32>
    %add3A_97 = arith.addf %dot_general3A_92, %add3A_96 : vector<1280x256xf32>
    %get3A_98 = arith.constant 0 : index
    %get3A_99 = arith.constant 0 : index
    %get3A_100 = vector.load %arg13[%get3A_98, %get3A_99] : memref<1x256xf32, #tpu.memory_space<vmem>>, vector<1x256xf32>
    %get3A_101 = arith.constant 0 : index
    %get3A_102 = arith.constant 0 : index
    %get3A_103 = vector.load %arg14[%get3A_101, %get3A_102] : memref<1x256xf32, #tpu.memory_space<vmem>>, vector<1x256xf32>
    %reduce_sum3A_104 = arith.constant dense<0.000000e+00> : vector<1280xf32>
    %reduce_sum3A_105 = vector.multi_reduction <add>, %add3A_97, %reduce_sum3A_104 [1] : vector<1280x256xf32> to vector<1280xf32>
    %broadcast_in_dim3A_106 = vector.shape_cast %reduce_sum3A_105 : vector<1280xf32> to vector<1280x1xf32>
    %div3A_107 = arith.constant 2.560000e+02 : f32
    %div3A_108 = vector.broadcast %div3A_107 : f32 to vector<1280x1xf32>
    %div3A_109 = arith.divf %broadcast_in_dim3A_106, %div3A_108 : vector<1280x1xf32>
    %sub3A_110 = vector.broadcast %div3A_109 : vector<1280x1xf32> to vector<1280x256xf32>
    %sub3A_111 = arith.subf %add3A_97, %sub3A_110 : vector<1280x256xf32>
    %integer_pow3A_112 = arith.mulf %sub3A_111, %sub3A_111 : vector<1280x256xf32>
    %reduce_sum3A_113 = arith.constant dense<0.000000e+00> : vector<1280xf32>
    %reduce_sum3A_114 = vector.multi_reduction <add>, %integer_pow3A_112, %reduce_sum3A_113 [1] : vector<1280x256xf32> to vector<1280xf32>
    %broadcast_in_dim3A_115 = vector.shape_cast %reduce_sum3A_114 : vector<1280xf32> to vector<1280x1xf32>
    %div3A_116 = arith.constant 2.560000e+02 : f32
    %div3A_117 = vector.broadcast %div3A_116 : f32 to vector<1280x1xf32>
    %div3A_118 = arith.divf %broadcast_in_dim3A_115, %div3A_117 : vector<1280x1xf32>
    %sub3A_119 = vector.broadcast %div3A_109 : vector<1280x1xf32> to vector<1280x256xf32>
    %sub3A_120 = arith.subf %add3A_97, %sub3A_119 : vector<1280x256xf32>
    %add3A_121 = arith.constant 9.99999974E-6 : f32
    %add3A_122 = vector.broadcast %add3A_121 : f32 to vector<1280x1xf32>
    %add3A_123 = arith.addf %div3A_118, %add3A_122 : vector<1280x1xf32>
    %sqrt3A_124 = math.sqrt %add3A_123 : vector<1280x1xf32>
    %div3A_125 = vector.broadcast %sqrt3A_124 : vector<1280x1xf32> to vector<1280x256xf32>
    %div3A_126 = arith.divf %sub3A_120, %div3A_125 : vector<1280x256xf32>
    %mul3A_127 = vector.broadcast %get3A_100 : vector<1x256xf32> to vector<1280x256xf32>
    %mul3A_128 = arith.mulf %div3A_126, %mul3A_127 : vector<1280x256xf32>
    %add3A_129 = vector.broadcast %get3A_103 : vector<1x256xf32> to vector<1280x256xf32>
    %add3A_130 = arith.addf %mul3A_128, %add3A_129 : vector<1280x256xf32>
    %max3A_131 = arith.constant 0.000000e+00 : f32
    %max3A_132 = vector.broadcast %max3A_131 : f32 to vector<1280x256xf32>
    %max3A_133 = arith.maximumf %add3A_130, %max3A_132 : vector<1280x256xf32>
    %swap3A = arith.constant 0 : index
    %swap3A_134 = arith.constant 0 : index
    %swap3A_135 = vector.load %arg15[%swap3A, %swap3A_134] : memref<1280x256xf32, #tpu.memory_space<vmem>>, vector<1280x256xf32>
    tpu.vector_store %arg15[%swap3A, %swap3A_134], %max3A_133 {strides = array<i32>} : memref<1280x256xf32, #tpu.memory_space<vmem>>, vector<1280x256xf32>,
    return
  }
  func.func @transform_0(%arg0: i32) -> (i32, i32) {
    %c0_i32 = arith.constant 0 : i32
    %c0_i32_0 = arith.constant 0 : i32
    return %arg0, %c0_i32 : i32, i32
  }
  func.func @transform_1(%arg0: i32) -> (i32, i32) {
    %c0_i32 = arith.constant 0 : i32
    %c0_i32_0 = arith.constant 0 : i32
    return %arg0, %c0_i32 : i32, i32
  }
  func.func @transform_2(%arg0: i32) -> (i32, i32) {
    %c0_i32 = arith.constant 0 : i32
    %c0_i32_0 = arith.constant 0 : i32
    %c0_i32_1 = arith.constant 0 : i32
    return %c0_i32, %c0_i32_0 : i32, i32
  }
  func.func @transform_3(%arg0: i32) -> (i32, i32) {
    %c0_i32 = arith.constant 0 : i32
    %c0_i32_0 = arith.constant 0 : i32
    %c0_i32_1 = arith.constant 0 : i32
    return %c0_i32, %c0_i32_0 : i32, i32
  }
  func.func @transform_4(%arg0: i32) -> (i32, i32) {
    %c0_i32 = arith.constant 0 : i32
    %c0_i32_0 = arith.constant 0 : i32
    %c0_i32_1 = arith.constant 0 : i32
    return %c0_i32, %c0_i32_0 : i32, i32
  }
  func.func @transform_5(%arg0: i32) -> (i32, i32) {
    %c0_i32 = arith.constant 0 : i32
    %c0_i32_0 = arith.constant 0 : i32
    %c0_i32_1 = arith.constant 0 : i32
    return %c0_i32, %c0_i32_0 : i32, i32
  }
  func.func @transform_6(%arg0: i32) -> (i32, i32) {
    %c0_i32 = arith.constant 0 : i32
    %c0_i32_0 = arith.constant 0 : i32
    %c0_i32_1 = arith.constant 0 : i32
    return %c0_i32, %c0_i32_0 : i32, i32
  }
  func.func @transform_7(%arg0: i32) -> (i32, i32) {
    %c0_i32 = arith.constant 0 : i32
    %c0_i32_0 = arith.constant 0 : i32
    %c0_i32_1 = arith.constant 0 : i32
    return %c0_i32, %c0_i32_0 : i32, i32
  }
  func.func @transform_8(%arg0: i32) -> (i32, i32) {
    %c0_i32 = arith.constant 0 : i32
    %c0_i32_0 = arith.constant 0 : i32
    %c0_i32_1 = arith.constant 0 : i32
    return %c0_i32, %c0_i32_0 : i32, i32
  }
  func.func @transform_9(%arg0: i32) -> (i32, i32) {
    %c0_i32 = arith.constant 0 : i32
    %c0_i32_0 = arith.constant 0 : i32
    %c0_i32_1 = arith.constant 0 : i32
    return %c0_i32, %c0_i32_0 : i32, i32
  }
  func.func @transform_10(%arg0: i32) -> (i32, i32) {
    %c0_i32 = arith.constant 0 : i32
    %c0_i32_0 = arith.constant 0 : i32
    %c0_i32_1 = arith.constant 0 : i32
    return %c0_i32, %c0_i32_0 : i32, i32
  }
  func.func @transform_11(%arg0: i32) -> (i32, i32) {
    %c0_i32 = arith.constant 0 : i32
    %c0_i32_0 = arith.constant 0 : i32
    %c0_i32_1 = arith.constant 0 : i32
    return %c0_i32, %c0_i32_0 : i32, i32
  }
  func.func @transform_12(%arg0: i32) -> (i32, i32) {
    %c0_i32 = arith.constant 0 : i32
    %c0_i32_0 = arith.constant 0 : i32
    %c0_i32_1 = arith.constant 0 : i32
    return %c0_i32, %c0_i32_0 : i32, i32
  }
  func.func @transform_13(%arg0: i32) -> (i32, i32) {
    %c0_i32 = arith.constant 0 : i32
    %c0_i32_0 = arith.constant 0 : i32
    %c0_i32_1 = arith.constant 0 : i32
    return %c0_i32, %c0_i32_0 : i32, i32
  }
  func.func @transform_14(%arg0: i32) -> (i32, i32) {
    %c0_i32 = arith.constant 0 : i32
    %c0_i32_0 = arith.constant 0 : i32
    return %arg0, %c0_i32 : i32, i32
  }
}

module attributes {stable_mosaic.version = 14 : i64} {
  func.func @_node_body(%arg0: i32, %arg1: memref<1000x256xf32, #tpu.memory_space<vmem>>, %arg2: memref<1000x256xf32, #tpu.memory_space<vmem>>, %arg3: memref<256x256xf32, #tpu.memory_space<vmem>>, %arg4: memref<256x256xf32, #tpu.memory_space<vmem>>, %arg5: memref<1x256xf32, #tpu.memory_space<vmem>>, %arg6: memref<1x256xf32, #tpu.memory_space<vmem>>, %arg7: memref<1x256xf32, #tpu.memory_space<vmem>>, %arg8: memref<256x256xf32, #tpu.memory_space<vmem>>, %arg9: memref<1x256xf32, #tpu.memory_space<vmem>>, %arg10: memref<1x256xf32, #tpu.memory_space<vmem>>, %arg11: memref<1x256xf32, #tpu.memory_space<vmem>>, %arg12: memref<256x256xf32, #tpu.memory_space<vmem>>, %arg13: memref<1x256xf32, #tpu.memory_space<vmem>>, %arg14: memref<1x256xf32, #tpu.memory_space<vmem>>, %arg15: memref<1x256xf32, #tpu.memory_space<vmem>>, %arg16: memref<1000x256xf32, #tpu.memory_space<vmem>>) attributes {dimension_semantics = [#tpu.dimension_semantics<arbitrary>], iteration_bounds = array<i64: 10>, scalar_prefetch = 0 : i64, scratch_operands = 0 : i64, tpu.core_type = #tpu.core_type<tc>, window_params = [{transform_indices = @transform_0, window_bounds = array<i64: 1000, 256>}, {transform_indices = @transform_1, window_bounds = array<i64: 1000, 256>}, {pipeline_mode = #tpu.pipeline_mode<synchronous>, transform_indices = @transform_2, window_bounds = array<i64: 256, 256>}, {pipeline_mode = #tpu.pipeline_mode<synchronous>, transform_indices = @transform_3, window_bounds = array<i64: 256, 256>}, {pipeline_mode = #tpu.pipeline_mode<synchronous>, transform_indices = @transform_4, window_bounds = array<i64: 1, 256>}, {pipeline_mode = #tpu.pipeline_mode<synchronous>, transform_indices = @transform_5, window_bounds = array<i64: 1, 256>}, {pipeline_mode = #tpu.pipeline_mode<synchronous>, transform_indices = @transform_6, window_bounds = array<i64: 1, 256>}, {pipeline_mode = #tpu.pipeline_mode<synchronous>, transform_indices = @transform_7, window_bounds = array<i64: 256, 256>}, {pipeline_mode = #tpu.pipeline_mode<synchronous>, transform_indices = @transform_8, window_bounds = array<i64: 1, 256>}, {pipeline_mode = #tpu.pipeline_mode<synchronous>, transform_indices = @transform_9, window_bounds = array<i64: 1, 256>}, {pipeline_mode = #tpu.pipeline_mode<synchronous>, transform_indices = @transform_10, window_bounds = array<i64: 1, 256>}, {pipeline_mode = #tpu.pipeline_mode<synchronous>, transform_indices = @transform_11, window_bounds = array<i64: 256, 256>}, {pipeline_mode = #tpu.pipeline_mode<synchronous>, transform_indices = @transform_12, window_bounds = array<i64: 1, 256>}, {pipeline_mode = #tpu.pipeline_mode<synchronous>, transform_indices = @transform_13, window_bounds = array<i64: 1, 256>}, {pipeline_mode = #tpu.pipeline_mode<synchronous>, transform_indices = @transform_14, window_bounds = array<i64: 1, 256>}, {transform_indices = @transform_15, window_bounds = array<i64: 1000, 256>}]} {
    %get3A = arith.constant 0 : index
    %get3A_0 = arith.constant 0 : index
    %get3A_1 = vector.load %arg1[%get3A, %get3A_0] : memref<1000x256xf32, #tpu.memory_space<vmem>>, vector<1000x256xf32>
    %get3A_2 = arith.constant 0 : index
    %get3A_3 = arith.constant 0 : index
    %get3A_4 = vector.load %arg3[%get3A_2, %get3A_3] : memref<256x256xf32, #tpu.memory_space<vmem>>, vector<256x256xf32>
    %dot_general3A = arith.constant dense<0.000000e+00> : vector<1000x256xf32>
    %dot_general3A_5 = tpu.matmul %get3A_1, %get3A_4, %dot_general3A {dimension_numbers = #tpu.dot_dimension_numbers<[1], [0], [0], [1], [0, 0, 1, 1], [], []>, transpose_lhs_hint = false} : vector<1000x256xf32>, vector<256x256xf32>, vector<1000x256xf32> -> vector<1000x256xf32>
    %get3A_6 = arith.constant 0 : index
    %get3A_7 = arith.constant 0 : index
    %get3A_8 = vector.load %arg2[%get3A_6, %get3A_7] : memref<1000x256xf32, #tpu.memory_space<vmem>>, vector<1000x256xf32>
    %get3A_9 = arith.constant 0 : index
    %get3A_10 = arith.constant 0 : index
    %get3A_11 = vector.load %arg4[%get3A_9, %get3A_10] : memref<256x256xf32, #tpu.memory_space<vmem>>, vector<256x256xf32>
    %dot_general3A_12 = arith.constant dense<0.000000e+00> : vector<1000x256xf32>
    %dot_general3A_13 = tpu.matmul %get3A_8, %get3A_11, %dot_general3A_12 {dimension_numbers = #tpu.dot_dimension_numbers<[1], [0], [0], [1], [0, 0, 1, 1], [], []>, transpose_lhs_hint = false} : vector<1000x256xf32>, vector<256x256xf32>, vector<1000x256xf32> -> vector<1000x256xf32>
    %add3A = arith.addf %dot_general3A_5, %dot_general3A_13 : vector<1000x256xf32>
    %get3A_14 = arith.constant 0 : index
    %get3A_15 = arith.constant 0 : index
    %get3A_16 = vector.load %arg5[%get3A_14, %get3A_15] : memref<1x256xf32, #tpu.memory_space<vmem>>, vector<1x256xf32>
    %add3A_17 = vector.broadcast %get3A_16 : vector<1x256xf32> to vector<1000x256xf32>
    %add3A_18 = arith.addf %add3A, %add3A_17 : vector<1000x256xf32>
    %get3A_19 = arith.constant 0 : index
    %get3A_20 = arith.constant 0 : index
    %get3A_21 = vector.load %arg6[%get3A_19, %get3A_20] : memref<1x256xf32, #tpu.memory_space<vmem>>, vector<1x256xf32>
    %get3A_22 = arith.constant 0 : index
    %get3A_23 = arith.constant 0 : index
    %get3A_24 = vector.load %arg7[%get3A_22, %get3A_23] : memref<1x256xf32, #tpu.memory_space<vmem>>, vector<1x256xf32>
    %reduce_sum3A = arith.constant dense<0.000000e+00> : vector<1000xf32>
    %reduce_sum3A_25 = vector.multi_reduction <add>, %add3A_18, %reduce_sum3A [1] : vector<1000x256xf32> to vector<1000xf32>
    %broadcast_in_dim3A = vector.shape_cast %reduce_sum3A_25 : vector<1000xf32> to vector<1000x1xf32>
    %div3A = arith.constant 2.560000e+02 : f32
    %div3A_26 = vector.broadcast %div3A : f32 to vector<1000x1xf32>
    %div3A_27 = arith.divf %broadcast_in_dim3A, %div3A_26 : vector<1000x1xf32>
    %sub3A = vector.broadcast %div3A_27 : vector<1000x1xf32> to vector<1000x256xf32>
    %sub3A_28 = arith.subf %add3A_18, %sub3A : vector<1000x256xf32>
    %integer_pow3A = arith.mulf %sub3A_28, %sub3A_28 : vector<1000x256xf32>
    %reduce_sum3A_29 = arith.constant dense<0.000000e+00> : vector<1000xf32>
    %reduce_sum3A_30 = vector.multi_reduction <add>, %integer_pow3A, %reduce_sum3A_29 [1] : vector<1000x256xf32> to vector<1000xf32>
    %broadcast_in_dim3A_31 = vector.shape_cast %reduce_sum3A_30 : vector<1000xf32> to vector<1000x1xf32>
    %div3A_32 = arith.constant 2.560000e+02 : f32
    %div3A_33 = vector.broadcast %div3A_32 : f32 to vector<1000x1xf32>
    %div3A_34 = arith.divf %broadcast_in_dim3A_31, %div3A_33 : vector<1000x1xf32>
    %sub3A_35 = vector.broadcast %div3A_27 : vector<1000x1xf32> to vector<1000x256xf32>
    %sub3A_36 = arith.subf %add3A_18, %sub3A_35 : vector<1000x256xf32>
    %add3A_37 = arith.constant 9.99999974E-6 : f32
    %add3A_38 = vector.broadcast %add3A_37 : f32 to vector<1000x1xf32>
    %add3A_39 = arith.addf %div3A_34, %add3A_38 : vector<1000x1xf32>
    %sqrt3A = math.sqrt %add3A_39 : vector<1000x1xf32>
    %div3A_40 = vector.broadcast %sqrt3A : vector<1000x1xf32> to vector<1000x256xf32>
    %div3A_41 = arith.divf %sub3A_36, %div3A_40 : vector<1000x256xf32>
    %mul3A = vector.broadcast %get3A_21 : vector<1x256xf32> to vector<1000x256xf32>
    %mul3A_42 = arith.mulf %div3A_41, %mul3A : vector<1000x256xf32>
    %add3A_43 = vector.broadcast %get3A_24 : vector<1x256xf32> to vector<1000x256xf32>
    %add3A_44 = arith.addf %mul3A_42, %add3A_43 : vector<1000x256xf32>
    %max3A = arith.constant 0.000000e+00 : f32
    %max3A_45 = vector.broadcast %max3A : f32 to vector<1000x256xf32>
    %max3A_46 = arith.maximumf %add3A_44, %max3A_45 : vector<1000x256xf32>
    %get3A_47 = arith.constant 0 : index
    %get3A_48 = arith.constant 0 : index
    %get3A_49 = vector.load %arg8[%get3A_47, %get3A_48] : memref<256x256xf32, #tpu.memory_space<vmem>>, vector<256x256xf32>
    %dot_general3A_50 = arith.constant dense<0.000000e+00> : vector<1000x256xf32>
    %dot_general3A_51 = tpu.matmul %max3A_46, %get3A_49, %dot_general3A_50 {dimension_numbers = #tpu.dot_dimension_numbers<[1], [0], [0], [1], [0, 0, 1, 1], [], []>, transpose_lhs_hint = false} : vector<1000x256xf32>, vector<256x256xf32>, vector<1000x256xf32> -> vector<1000x256xf32>
    %get3A_52 = arith.constant 0 : index
    %get3A_53 = arith.constant 0 : index
    %get3A_54 = vector.load %arg9[%get3A_52, %get3A_53] : memref<1x256xf32, #tpu.memory_space<vmem>>, vector<1x256xf32>
    %add3A_55 = vector.broadcast %get3A_54 : vector<1x256xf32> to vector<1000x256xf32>
    %add3A_56 = arith.addf %dot_general3A_51, %add3A_55 : vector<1000x256xf32>
    %get3A_57 = arith.constant 0 : index
    %get3A_58 = arith.constant 0 : index
    %get3A_59 = vector.load %arg10[%get3A_57, %get3A_58] : memref<1x256xf32, #tpu.memory_space<vmem>>, vector<1x256xf32>
    %get3A_60 = arith.constant 0 : index
    %get3A_61 = arith.constant 0 : index
    %get3A_62 = vector.load %arg11[%get3A_60, %get3A_61] : memref<1x256xf32, #tpu.memory_space<vmem>>, vector<1x256xf32>
    %reduce_sum3A_63 = arith.constant dense<0.000000e+00> : vector<1000xf32>
    %reduce_sum3A_64 = vector.multi_reduction <add>, %add3A_56, %reduce_sum3A_63 [1] : vector<1000x256xf32> to vector<1000xf32>
    %broadcast_in_dim3A_65 = vector.shape_cast %reduce_sum3A_64 : vector<1000xf32> to vector<1000x1xf32>
    %div3A_66 = arith.constant 2.560000e+02 : f32
    %div3A_67 = vector.broadcast %div3A_66 : f32 to vector<1000x1xf32>
    %div3A_68 = arith.divf %broadcast_in_dim3A_65, %div3A_67 : vector<1000x1xf32>
    %sub3A_69 = vector.broadcast %div3A_68 : vector<1000x1xf32> to vector<1000x256xf32>
    %sub3A_70 = arith.subf %add3A_56, %sub3A_69 : vector<1000x256xf32>
    %integer_pow3A_71 = arith.mulf %sub3A_70, %sub3A_70 : vector<1000x256xf32>
    %reduce_sum3A_72 = arith.constant dense<0.000000e+00> : vector<1000xf32>
    %reduce_sum3A_73 = vector.multi_reduction <add>, %integer_pow3A_71, %reduce_sum3A_72 [1] : vector<1000x256xf32> to vector<1000xf32>
    %broadcast_in_dim3A_74 = vector.shape_cast %reduce_sum3A_73 : vector<1000xf32> to vector<1000x1xf32>
    %div3A_75 = arith.constant 2.560000e+02 : f32
    %div3A_76 = vector.broadcast %div3A_75 : f32 to vector<1000x1xf32>
    %div3A_77 = arith.divf %broadcast_in_dim3A_74, %div3A_76 : vector<1000x1xf32>
    %sub3A_78 = vector.broadcast %div3A_68 : vector<1000x1xf32> to vector<1000x256xf32>
    %sub3A_79 = arith.subf %add3A_56, %sub3A_78 : vector<1000x256xf32>
    %add3A_80 = arith.constant 9.99999974E-6 : f32
    %add3A_81 = vector.broadcast %add3A_80 : f32 to vector<1000x1xf32>
    %add3A_82 = arith.addf %div3A_77, %add3A_81 : vector<1000x1xf32>
    %sqrt3A_83 = math.sqrt %add3A_82 : vector<1000x1xf32>
    %div3A_84 = vector.broadcast %sqrt3A_83 : vector<1000x1xf32> to vector<1000x256xf32>
    %div3A_85 = arith.divf %sub3A_79, %div3A_84 : vector<1000x256xf32>
    %mul3A_86 = vector.broadcast %get3A_59 : vector<1x256xf32> to vector<1000x256xf32>
    %mul3A_87 = arith.mulf %div3A_85, %mul3A_86 : vector<1000x256xf32>
    %add3A_88 = vector.broadcast %get3A_62 : vector<1x256xf32> to vector<1000x256xf32>
    %add3A_89 = arith.addf %mul3A_87, %add3A_88 : vector<1000x256xf32>
    %max3A_90 = arith.constant 0.000000e+00 : f32
    %max3A_91 = vector.broadcast %max3A_90 : f32 to vector<1000x256xf32>
    %max3A_92 = arith.maximumf %add3A_89, %max3A_91 : vector<1000x256xf32>
    %get3A_93 = arith.constant 0 : index
    %get3A_94 = arith.constant 0 : index
    %get3A_95 = vector.load %arg12[%get3A_93, %get3A_94] : memref<256x256xf32, #tpu.memory_space<vmem>>, vector<256x256xf32>
    %dot_general3A_96 = arith.constant dense<0.000000e+00> : vector<1000x256xf32>
    %dot_general3A_97 = tpu.matmul %max3A_92, %get3A_95, %dot_general3A_96 {dimension_numbers = #tpu.dot_dimension_numbers<[1], [0], [0], [1], [0, 0, 1, 1], [], []>, transpose_lhs_hint = false} : vector<1000x256xf32>, vector<256x256xf32>, vector<1000x256xf32> -> vector<1000x256xf32>
    %get3A_98 = arith.constant 0 : index
    %get3A_99 = arith.constant 0 : index
    %get3A_100 = vector.load %arg13[%get3A_98, %get3A_99] : memref<1x256xf32, #tpu.memory_space<vmem>>, vector<1x256xf32>
    %add3A_101 = vector.broadcast %get3A_100 : vector<1x256xf32> to vector<1000x256xf32>
    %add3A_102 = arith.addf %dot_general3A_97, %add3A_101 : vector<1000x256xf32>
    %get3A_103 = arith.constant 0 : index
    %get3A_104 = arith.constant 0 : index
    %get3A_105 = vector.load %arg14[%get3A_103, %get3A_104] : memref<1x256xf32, #tpu.memory_space<vmem>>, vector<1x256xf32>
    %get3A_106 = arith.constant 0 : index
    %get3A_107 = arith.constant 0 : index
    %get3A_108 = vector.load %arg15[%get3A_106, %get3A_107] : memref<1x256xf32, #tpu.memory_space<vmem>>, vector<1x256xf32>
    %reduce_sum3A_109 = arith.constant dense<0.000000e+00> : vector<1000xf32>
    %reduce_sum3A_110 = vector.multi_reduction <add>, %add3A_102, %reduce_sum3A_109 [1] : vector<1000x256xf32> to vector<1000xf32>
    %broadcast_in_dim3A_111 = vector.shape_cast %reduce_sum3A_110 : vector<1000xf32> to vector<1000x1xf32>
    %div3A_112 = arith.constant 2.560000e+02 : f32
    %div3A_113 = vector.broadcast %div3A_112 : f32 to vector<1000x1xf32>
    %div3A_114 = arith.divf %broadcast_in_dim3A_111, %div3A_113 : vector<1000x1xf32>
    %sub3A_115 = vector.broadcast %div3A_114 : vector<1000x1xf32> to vector<1000x256xf32>
    %sub3A_116 = arith.subf %add3A_102, %sub3A_115 : vector<1000x256xf32>
    %integer_pow3A_117 = arith.mulf %sub3A_116, %sub3A_116 : vector<1000x256xf32>
    %reduce_sum3A_118 = arith.constant dense<0.000000e+00> : vector<1000xf32>
    %reduce_sum3A_119 = vector.multi_reduction <add>, %integer_pow3A_117, %reduce_sum3A_118 [1] : vector<1000x256xf32> to vector<1000xf32>
    %broadcast_in_dim3A_120 = vector.shape_cast %reduce_sum3A_119 : vector<1000xf32> to vector<1000x1xf32>
    %div3A_121 = arith.constant 2.560000e+02 : f32
    %div3A_122 = vector.broadcast %div3A_121 : f32 to vector<1000x1xf32>
    %div3A_123 = arith.divf %broadcast_in_dim3A_120, %div3A_122 : vector<1000x1xf32>
    %sub3A_124 = vector.broadcast %div3A_114 : vector<1000x1xf32> to vector<1000x256xf32>
    %sub3A_125 = arith.subf %add3A_102, %sub3A_124 : vector<1000x256xf32>
    %add3A_126 = arith.constant 9.99999974E-6 : f32
    %add3A_127 = vector.broadcast %add3A_126 : f32 to vector<1000x1xf32>
    %add3A_128 = arith.addf %div3A_123, %add3A_127 : vector<1000x1xf32>
    %sqrt3A_129 = math.sqrt %add3A_128 : vector<1000x1xf32>
    %div3A_130 = vector.broadcast %sqrt3A_129 : vector<1000x1xf32> to vector<1000x256xf32>
    %div3A_131 = arith.divf %sub3A_125, %div3A_130 : vector<1000x256xf32>
    %mul3A_132 = vector.broadcast %get3A_105 : vector<1x256xf32> to vector<1000x256xf32>
    %mul3A_133 = arith.mulf %div3A_131, %mul3A_132 : vector<1000x256xf32>
    %add3A_134 = vector.broadcast %get3A_108 : vector<1x256xf32> to vector<1000x256xf32>
    %add3A_135 = arith.addf %mul3A_133, %add3A_134 : vector<1000x256xf32>
    %max3A_136 = arith.constant 0.000000e+00 : f32
    %max3A_137 = vector.broadcast %max3A_136 : f32 to vector<1000x256xf32>
    %max3A_138 = arith.maximumf %add3A_135, %max3A_137 : vector<1000x256xf32>
    %swap3A = arith.constant 0 : index
    %swap3A_139 = arith.constant 0 : index
    %swap3A_140 = vector.load %arg16[%swap3A, %swap3A_139] : memref<1000x256xf32, #tpu.memory_space<vmem>>, vector<1000x256xf32>
    tpu.vector_store %arg16[%swap3A, %swap3A_139], %max3A_138 {strides = array<i32>} : memref<1000x256xf32, #tpu.memory_space<vmem>>, vector<1000x256xf32>,
    return
  }
  func.func @transform_0(%arg0: i32) -> (i32, i32) {
    %c0_i32 = arith.constant 0 : i32
    %c0_i32_0 = arith.constant 0 : i32
    return %arg0, %c0_i32 : i32, i32
  }
  func.func @transform_1(%arg0: i32) -> (i32, i32) {
    %c0_i32 = arith.constant 0 : i32
    %c0_i32_0 = arith.constant 0 : i32
    return %arg0, %c0_i32 : i32, i32
  }
  func.func @transform_2(%arg0: i32) -> (i32, i32) {
    %c0_i32 = arith.constant 0 : i32
    %c0_i32_0 = arith.constant 0 : i32
    %c0_i32_1 = arith.constant 0 : i32
    return %c0_i32, %c0_i32_0 : i32, i32
  }
  func.func @transform_3(%arg0: i32) -> (i32, i32) {
    %c0_i32 = arith.constant 0 : i32
    %c0_i32_0 = arith.constant 0 : i32
    %c0_i32_1 = arith.constant 0 : i32
    return %c0_i32, %c0_i32_0 : i32, i32
  }
  func.func @transform_4(%arg0: i32) -> (i32, i32) {
    %c0_i32 = arith.constant 0 : i32
    %c0_i32_0 = arith.constant 0 : i32
    %c0_i32_1 = arith.constant 0 : i32
    return %c0_i32, %c0_i32_0 : i32, i32
  }
  func.func @transform_5(%arg0: i32) -> (i32, i32) {
    %c0_i32 = arith.constant 0 : i32
    %c0_i32_0 = arith.constant 0 : i32
    %c0_i32_1 = arith.constant 0 : i32
    return %c0_i32, %c0_i32_0 : i32, i32
  }
  func.func @transform_6(%arg0: i32) -> (i32, i32) {
    %c0_i32 = arith.constant 0 : i32
    %c0_i32_0 = arith.constant 0 : i32
    %c0_i32_1 = arith.constant 0 : i32
    return %c0_i32, %c0_i32_0 : i32, i32
  }
  func.func @transform_7(%arg0: i32) -> (i32, i32) {
    %c0_i32 = arith.constant 0 : i32
    %c0_i32_0 = arith.constant 0 : i32
    %c0_i32_1 = arith.constant 0 : i32
    return %c0_i32, %c0_i32_0 : i32, i32
  }
  func.func @transform_8(%arg0: i32) -> (i32, i32) {
    %c0_i32 = arith.constant 0 : i32
    %c0_i32_0 = arith.constant 0 : i32
    %c0_i32_1 = arith.constant 0 : i32
    return %c0_i32, %c0_i32_0 : i32, i32
  }
  func.func @transform_9(%arg0: i32) -> (i32, i32) {
    %c0_i32 = arith.constant 0 : i32
    %c0_i32_0 = arith.constant 0 : i32
    %c0_i32_1 = arith.constant 0 : i32
    return %c0_i32, %c0_i32_0 : i32, i32
  }
  func.func @transform_10(%arg0: i32) -> (i32, i32) {
    %c0_i32 = arith.constant 0 : i32
    %c0_i32_0 = arith.constant 0 : i32
    %c0_i32_1 = arith.constant 0 : i32
    return %c0_i32, %c0_i32_0 : i32, i32
  }
  func.func @transform_11(%arg0: i32) -> (i32, i32) {
    %c0_i32 = arith.constant 0 : i32
    %c0_i32_0 = arith.constant 0 : i32
    %c0_i32_1 = arith.constant 0 : i32
    return %c0_i32, %c0_i32_0 : i32, i32
  }
  func.func @transform_12(%arg0: i32) -> (i32, i32) {
    %c0_i32 = arith.constant 0 : i32
    %c0_i32_0 = arith.constant 0 : i32
    %c0_i32_1 = arith.constant 0 : i32
    return %c0_i32, %c0_i32_0 : i32, i32
  }
  func.func @transform_13(%arg0: i32) -> (i32, i32) {
    %c0_i32 = arith.constant 0 : i32
    %c0_i32_0 = arith.constant 0 : i32
    %c0_i32_1 = arith.constant 0 : i32
    return %c0_i32, %c0_i32_0 : i32, i32
  }
  func.func @transform_14(%arg0: i32) -> (i32, i32) {
    %c0_i32 = arith.constant 0 : i32
    %c0_i32_0 = arith.constant 0 : i32
    %c0_i32_1 = arith.constant 0 : i32
    return %c0_i32, %c0_i32_0 : i32, i32
  }
  func.func @transform_15(%arg0: i32) -> (i32, i32) {
    %c0_i32 = arith.constant 0 : i32
    %c0_i32_0 = arith.constant 0 : i32
    return %arg0, %c0_i32 : i32, i32
  }
}

</mosaic_0001>

<sc_bundles>
// kernel: kernel.10.cloned.1.call-start
scs
__scs_entry_jumppad:
0x0: {  	(pc) =	sbr.rel $0x88, $3  }
0x1: {  	(tag) =	ssettag $0x0;
	lr =	simm.s32 $0x1  }
0x2: {  	[smem:$0x3F86] =	sst lr;
	_ =	strace $0xD0000000  }
0x3: {  	_ = 	snop  }
0x4: {  	_ = 	snop  }
0x5: {  	_ = 	snop  }
0x6: {  	_ = 	snop  }
0x7: {  	_ = 	snop  }
__scs_overlays_trampoline_lowered:
0x8: {  	[smem:$0x3F95] =	sst s0  }
0x9: {  	[smem:$0x3F96] =	sst s1  }
0xa: {  	[smem:$0x3F97] =	sst s2  }
0xb: {  	[smem:$0x3F98] =	sst s3  }
0xc: {  	[smem:$0x3F99] =	sst s4  }
0xd: {  	[smem:$0x3F9A] =	sst s5  }
0xe: {  	[smem:$0x3F9B] =	sst s6  }
0xf: {  	[smem:$0x3F9C] =	sst s7  }
0x10: {  	[smem:$0x3F9D] =	sst s8  }
0x11: {  	[smem:$0x3F9E] =	sst s9;
	s0 =	simm.s32 @!p0 $0x0  }
0x12: {  	s1 =	sld [smem:$0x3F84];
	s0 =	simm.s32 @p0 $0x1  }
0x13: {  	[smem:$0x3F9F] =	sst s0;
	s0 =	simm.s32 @!p1 $0x0  }
0x14: {  	s2 =	sld [smem:$0x3F83];
	s0 =	simm.s32 @p1 $0x1  }
0x15: {  	[smem:$0x3FA0] =	sst s0;
	s0 =	simm.s32 @!p2 $0x0  }
0x16: {  	s3 =	sld [smem:$0x3FDB];
	s0 =	simm.s32 @p2 $0x1  }
0x17: {  	s4 =	simm.s32 $0x1BF5;
	[smem:$0x3FA2] =	sst s0  }
0x18: {  	s0 =	sld [smem:$0x3F85];
	_ =	swait.ge [sflag:s4], $0x0  }
0x19: {  	s7 =	sld [smem:$0x3F86]  }
0x1a: {  	s8 =	sadd.s32 $0xFFFFE003, lr  }
0x1b: {  	s9 =	sadd.s32 $0xFFFFFEF7, lr;
	s5 =	simm.s32 $0xFFFFFFFF;
	p2 =	slt.u32 s8, $0xFFFFF086  }
0x1c: {  	p1 =	slt.u32 s9, $0xF7A;
	s5 =	simm.s32 @!p2 $0x0  }
0x1d: {  	s5 =	simm.s32 @p1 $0x1;
	p0 =	seq.s32 s7, s2  }
0x1e: {  	s7 =	smul.u32 @!p0 $0xF7A, s2;
	p2 =	seq.s32 @!p0 s5, $0x0  }
0x1f: {  	s9 =	smul.u32 $0xF7A, s1;
	s8 =	simm.s32 @!p0 $0x1BF5;
	p2 =	por !p2, p0  }
0x20: {  	[sflag:s8] =	ssyncset.s32 @!p0 $0xFFFFF086;
	s6 =	sadd.s32 @!p0 s3, s7;
	s7 =	simm.s32 @!p0 $0x108  }
0x21: {  	s3 =	sadd.s32 s3, s9;
	s6 =	sadd.s32 @!p0 $0x88, s6;
	s7 =	simm.s32 @p2 $0x1082  }
0x22: {  	[simem:s7], [sflag:s8] =	dma.local @!p0 [hbm:s6], $0xF7A  }
0x23: {  	s9 =	sor.u32 $0xD0000000, s2;
	s6 =	simm.s32 $0x108;
	_ =	swait.ge @!p0 [sflag:s8], $0x0  }
0x24: {  	s3 =	sadd.s32 $0x88, s3;
	s6 =	simm.s32 @!p1 $0x1082;
	[sflag:s4] =	ssyncset.s32 $0xFFFFF086  }
0x25: {  	[simem:s6], [sflag:s4] =	dma.local [hbm:s3], $0xF7A  }
0x26: {  	[smem:$0x3F86] =	sst s1;
	(tag) =	ssettag s2;
	_ =	strace s9  }
0x27: {  	s1 =	sld [smem:$0x3F96]  }
0x28: {  	s2 =	sld [smem:$0x3F97]  }
0x29: {  	s4 =	sld [smem:$0x3F99]  }
0x2a: {  	p0 =	seq.s32 s5, $0x0;
	s5 =	sld [smem:$0x3F9A]  }
0x2b: {  	s6 =	sld [smem:$0x3F9B]  }
0x2c: {  	s7 =	sld [smem:$0x3F9C]  }
0x2d: {  	s3 =	simm.s32 $0x108;
	s8 =	sld [smem:$0x3F9D]  }
0x2e: {  	s3 =	simm.s32 @!p0 $0x1082;
	s9 =	sld [smem:$0x3F9E]  }
0x2f: {  	lr =	sadd.s32 s0, s3;
	s0 =	sld [smem:$0x3F95]  }
0x30: {  	s3 =	sld [smem:$0x3F98]  }
0x31: {  	[smem:$0x3FA1] =	sst s10  }
0x32: {  	s10 =	sld [smem:$0x3F9F];
	_ =	sdelay $0x3  }
0x33: {  	p0 =	seq.s32 s10, $0x1;
	s10 =	sld [smem:$0x3FA1];
	_ =	sdelay $0x3  }
0x34: {  	[smem:$0x3FA1] =	sst s10  }
0x35: {  	s10 =	sld [smem:$0x3FA0];
	_ =	sdelay $0x3  }
0x36: {  	p1 =	seq.s32 s10, $0x1;
	s10 =	sld [smem:$0x3FA1];
	_ =	sdelay $0x3  }
0x37: {  	[smem:$0x3FA1] =	sst s10  }
0x38: {  	s10 =	sld [smem:$0x3FA2]  }
0x39: {  	_ = 	snop;
	(pc) =	sbr.ind lr, $3  }
0x3a: {  	_ = 	snop  }
0x3b: {  	_ = 	snop  }
0x3c: {  	p2 =	seq.s32 s10, $0x1;
	s10 =	sld [smem:$0x3FA1]  }
0x3d: {  	_ =	shalt  }
0x3e: {  	_ =	shalt  }
0x3f: {  	_ =	shalt  }
0x40: {  	_ =	shalt  }
0x41: {  	_ =	shalt  }
0x42: {  	_ =	shalt  }
0x43: {  	_ =	shalt  }
0x44: {  	_ =	shalt  }
0x45: {  	_ =	shalt  }
0x46: {  	_ =	shalt  }
0x47: {  	_ =	shalt  }
0x48: {  	_ =	shalt  }
0x49: {  	_ =	shalt  }
0x4a: {  	_ =	shalt  }
0x4b: {  	_ =	shalt  }
0x4c: {  	_ =	shalt  }
0x4d: {  	_ =	shalt  }
0x4e: {  	_ =	shalt  }
0x4f: {  	_ =	shalt  }
0x50: {  	_ =	shalt  }
0x51: {  	_ =	shalt  }
0x52: {  	_ =	shalt  }
0x53: {  	_ =	shalt  }
0x54: {  	_ =	shalt  }
0x55: {  	_ =	shalt  }
0x56: {  	_ =	shalt  }
0x57: {  	_ =	shalt  }
0x58: {  	_ =	shalt  }
0x59: {  	_ =	shalt  }
0x5a: {  	_ =	shalt  }
0x5b: {  	_ =	shalt  }
0x5c: {  	_ =	shalt  }
0x5d: {  	_ =	shalt  }
0x5e: {  	_ =	shalt  }
0x5f: {  	_ =	shalt  }
0x60: {  	_ =	shalt  }
0x61: {  	_ =	shalt  }
0x62: {  	_ =	shalt  }
0x63: {  	_ =	shalt  }
0x64: {  	_ =	shalt  }
0x65: {  	_ =	shalt  }
0x66: {  	_ =	shalt  }
0x67: {  	_ =	shalt  }
0x68: {  	_ =	shalt  }
0x69: {  	_ =	shalt  }
0x6a: {  	_ =	shalt  }
0x6b: {  	_ =	shalt  }
0x6c: {  	_ =	shalt  }
0x6d: {  	_ =	shalt  }
0x6e: {  	_ =	shalt  }
0x6f: {  	_ =	shalt  }
0x70: {  	_ =	shalt  }
0x71: {  	_ =	shalt  }
0x72: {  	_ =	shalt  }
0x73: {  	_ =	shalt  }
0x74: {  	_ =	shalt  }
0x75: {  	_ =	shalt  }
0x76: {  	_ =	shalt  }
0x77: {  	_ =	shalt  }
0x78: {  	_ =	shalt  }
0x79: {  	_ =	shalt  }
0x7a: {  	_ =	shalt  }
0x7b: {  	_ =	shalt  }
0x7c: {  	_ =	shalt  }
0x7d: {  	_ =	shalt  }
0x7e: {  	_ =	shalt  }
0x7f: {  	_ =	shalt  }
0x80: {  	_ =	shalt  }
0x81: {  	_ =	shalt  }
0x82: {  	_ =	shalt  }
0x83: {  	_ =	shalt  }
0x84: {  	_ =	shalt  }
0x85: {  	_ =	shalt  }
0x86: {  	_ =	shalt  }
0x87: {  	_ =	shalt  }
.Lfunc_end0:
.L_simem_size_0:
called_computation.1_lowered:
.L_overlay_start_0:
0x88: {  	s2 =	sld [smem:$0x3FD9]  }
0x89: {  	s3 =	sld [smem:$0x3FFE];
	_ =	sdelay $0x1  }
0x8a: {  	s1 =	srdreg.scid  }
0x8b: {  	s0 =	sand.u32 $0x1, s1  }
0x8c: {  	s17 =	sshll.u32 s0, $0xA;
	s2 =	sadd.s32 s3, s2  }
0x8d: {  	s2 =	sadd.s32 s2, s17  }
0x8e: {  	[smem:$0x3FAD] =	sst s2  }
0x8f: {  	_ = 	snop  }
0x90: {  	s2 =	sld [smem:$0x3FD0];
	(tm) =	ssettm $0x1  }
0x91: {  	s18 =	sld [smem:$0x3FFB];
	_ =	sdelay $0x3  }
0x92: {  	_ =	strace s18  }
0x93: {  	s3 =	sld [smem:$0x3FFC];
	_ =	sdelay $0x3  }
0x94: {  	_ =	strace s3  }
0x95: {  	s3 =	sld [smem:$0x3FFD];
	_ =	sdelay $0x3  }
0x96: {  	_ =	strace s3  }
0x97: {  	_ =	strace $0x8FFFFFFF  }
0x98: {  	s19 =	sld [smem:$0x3FDB];
	_ =	sdelay $0x1  }
0x99: {  	s4 =	simm.s32 $_scs_section_size  }
0x9a: {  	s5 =	simm.s32 $_size__tile_overlayer_lowered;
	s6 =	simm.s32 $_tile_overlayer_lowered  }
0x9b: {  	s22 =	simm.s32 $0x1BFF;
	s21 =	sshll.u32 s6, $0x1;
	s3 =	sadd.s32 s4, s19  }
0x9c: {  	s7 =	simm.s32 $0x0;
	s20 =	sshll.u32 s5, $0x1;
	s5 =	sadd.s32 s21, s3  }
0x9d: {  	[timem:s7], [sflag:s22] =	dma.local [hbm:s5], s20  }
0x9e: {  	_ =	swait.ge [sflag:s22], s20  }
0x9f: {  	s4 =	ssub.s32 $0x0, s20;
	[sflag:s22] =	ssyncset.done $0x0  }
0xa0: {  	[sflag:s22] =	ssyncadd.s32 s4;
	_ =	sdelay $0x1  }
0xa1: {  	s23 =	simm.s32 $0x1B8B  }
0xa2: {  	_ =	swait.ge [sflag:s23], $0x1  }
0xa3: {  	[sflag:s23] =	ssyncset.done $0x0  }
0xa4: {  	s25 =	simm.s32 $0x1B8E;
	s24 =	sld [smem:$0x3FFE];
	[sflag:s23] =	ssyncadd.s32 $0xFFFFFFFF  }
0xa5: {  	s26 =	simm.s32 $execute0_lowered;
	[smem:$0x3FD2] =	sst s25  }
0xa6: {  	s5 =	sshll.u32 s26, $0x1;
	_ =	strace $0x80000049;
	[dreg:$0x1] =	wrdreg $0xFFFFFFFF  }
0xa7: {  	s28 =	simm.s32 $_size_execute0_lowered;
	s3 =	sadd.s32 s3, s5;
	[dreg:$0x0] =	wrdreg $0x0  }
0xa8: {  	s5 =	sshll.u32 s28, $0x1;
	[dreg:$0x2] =	wrdreg s3  }
0xa9: {  	[dreg:$0x3] =	wrdreg s5  }
0xaa: {  	[dreg:$0x4] =	wrdreg $0xC0  }
0xab: {  	_ =	task [dreg:s7], $0x5FFFF  }
0xac: {  	[dreg:$0x1] =	wrdreg $0xFFFFFFFF  }
0xad: {  	[dreg:$0x0] =	wrdreg $0x60  }
0xae: {  	[dreg:$0x2] =	wrdreg s24  }
0xaf: {  	[dreg:$0x3] =	wrdreg s2  }
0xb0: {  	[dreg:$0x4] =	wrdreg $0x9  }
0xb1: {  	_ =	task.clear_ibuf [dreg:s7], $0x5FFFF;
	_ =	strace $0x90000049  }
0xb2: {  	s29 =	simm.s32 $0x9;
	_ =	strace $0x8000004B  }
0xb3: {  	_ =	swait.ge [sflag:s29], $0x1  }
0xb4: {  	[sflag:s29] =	ssyncadd.s32 $0xFFFFFFFF  }
0xb5: {  	_ =	strace $0x9000004B  }
0xb6: {  	_ =	sfence  }
0xb7: {  	s30 =	sld [smem:$0x0];
	_ =	sdelay $0x2  }
0xb8: {  	s31 =	sshll.u32 s1, $0xD;
	s1 =	sshrl.u32 s1, $0x2  }
0xb9: {  	s3 =	sand.u32 $0x4000, s31;
	s1 =	sadd.s32 s1, s30  }
0xba: {  	s0 =	sor.u32 s3, s0;
	s1 =	sshll.u32 s1, $0x11  }
0xbb: {  	s0 =	sor.u32 s1, s0  }
0xbc: {  	s0 =	sadd.s32 $0x8F2B, s0  }
0xbd: {  	[sflag:s0] =	ssyncadd.remote.s32 $0x1  }
0xbe: {  	_ =	sfence.sel $0xFFFF  }
0xbf: {  	[dreg:$0x0] =	wrdreg $0xFFFFFFFF;
	(pc) =	sbr.abs _section_cstart, $3  }
0xc0: {  	[dreg:$0x1] =	wrdreg $0xFFFFFFFF  }
0xc1: {  	_ =	task.clear_ibuf [dreg:s7], $0x2FFFF;
	_ =	strace $0x9FFFFFFF  }
0xc2: {  	(tm) =	ssettm $0x7FFFFFFF  }
0xc3: {  	_ =	shalt  }
tec
execute0_lowered:
.L_overlay_start_1:
0x0: {  	(tag) =	ssettag $0x1  }
0x1: {  	s0 =	srdreg.scid  }
0x2: {  	s3 =	stileid.u32;
	s2 =	rddreg [dreg:$0x0]  }
0x3: {  	s8 =	simm.s32 $0x2;
	s9 =	simm.s32 $0x14000;
	s10 =	simm.s32 $0x15000  }
0x4: {  	s11 =	simm.s32 $0x16000;
	s12 =	simm.s32 $0x1;
	s0 =	sand.u32 $0x1, s0  }
0x5: {  	s13 =	simm.s32 $0x17000;
	s14 =	simm.s32 $0x17800;
	s1 =	sshll.u32 s0, $0x4  }
0x6: {  	v1 =	vlaneseq.u32;
	v2 =	vimm.s32 $0x0;
	s15 =	simm.s32 $0x18000;
	s16 =	simm.s32 $0x18800;
	s1 =	sor.u32 s3, s1  }
0x7: {  	vm0 =	vmmov $0xffff;
	s17 =	simm.s32 $0x19000;
	s18 =	simm.s32 $0x19800;
	v3 =	vand.u32 $0x7, v1;
	v4 =	vshrl.u32 v1, $0x3;
	s4 =	smul.u32 $0xFFFFFEC0, s1  }
0x8: {  	s20 =	simm.s32 $0x0;
	v5 =	vor.u32 $0x8, v1;
	v6 =	vor.u32 $0x10, v1;
	v7 =	vor.u32 $0x20, v1;
	s0 =	ssub.s32 $0x2, s0;
	s1 =	smul.u32 $0x2800, s1  }
.Ltmp0:
0x9: {  	v8 =	vor.u32 $0x30, v1;
	v9 =	vor.u32 $0x40, v1;
	v10 =	vor.u32 $0x50, v1;
	s3 =	simm.s32 $0x0;
	s5 =	sshrl.u32 s0, $0x1;
	(pc) =	sbr.rel .LBB2_1-.Ltmp0, $4  }
0xa: {  	s25 =	simm.s32 $0x0;
	v11 =	vor.u32 $0x60, v1;
	v12 =	vor.u32 $0x70, v1;
	v13 =	vor.u32 $0x400, v1;
	[smem:$0x7FF] =	sst s3;
	s0 =	ssub.s32 s0, s5  }
0xb: {  	v14 =	vor.u32 $0x410, v1;
	v15 =	vor.u32 $0x420, v1;
	v16 =	vor.u32 $0x430, v1;
	s5 =	sadd.s32 $0x5C00, s2;
	s0 =	smax.u32 s0, $0x1;
	s1 =	sadd.s32 s1, s2  }
0xc: {  	v17 =	vor.u32 $0x440, v1;
	v18 =	vor.u32 $0x450, v1;
	v19 =	vor.u32 $0x460, v1;
	_ =	strace $0x8000004A;
	[dreg:$0x4] =	wrdreg s0;
	s1 =	sadd.s32 $0xAC00, s1  }
0xd: {  	v20 =	vor.u32 $0x470, v1;
	v4 =	vmul.u32 $0x8, v4;
	v0 =	vmov s4;
	s4 =	sadd.s32 $0x4FCC00, s2;
	[dreg:$0x3] =	wrdreg s1;
	s1 =	simm.s32 $0x0  }
.LBB2_16:
0xe: {  	s0 =	rddreg [dreg:$0x3]  }
0xf: {  	[hbm4b:s0+s3] =	stream.linear.scatter [tilespmem:s3], [sflag:$0x2], $0x14000, $0x38;
	[tilespmem:$0x1A000] =	vst v63  }
0x10: {  	_ =	swait.ge [sflag:s8], $0x14000  }
0x11: {  	s1 =	rddreg [dreg:$0x5]  }
0x12: {  	s31 =	rddreg [dreg:$0x4];
	s1 =	sadd.s32 $0x1, s1  }
0x13: {  	p0 =	sne.s32 s1, s31  }
.Ltmp1:
0x14: {  	_ = 	snop;
	(pc) =	sbr.rel @!p0 .LBB2_17-.Ltmp1, $3  }
0x15: {  	_ =	sdelay $0x1  }
0x16: {  	[sflag:s8] =	ssyncset.done $0x0  }
0x17: {  	[sflag:s8] =	ssyncadd.s32 $0xFFFEC000  }
.LBB2_1:
0x18: {  	[dreg:$0x5] =	wrdreg s1  }
0x19: {  	s0 =	rddreg [dreg:$0x1]  }
0x1a: {  	[tilespmem:s3], [sflag:$0x2] =	stream.linear.gather [hbm4b:s0+s3], $0x14000, $0x38;
	[tilespmem:$0x1A000] =	vst v63  }
0x1b: {  	_ =	swait.ge [sflag:s8], $0x14000  }
0x1c: {  	[sflag:s8] =	ssyncset.done $0x0  }
0x1d: {  	s1 =	simm.s32 $0x0;
	s0 =	simm.s32 $0x40;
	[sflag:s8] =	ssyncadd.s32 $0xFFFEC000  }
.LBB2_2:
0x1e: {  	p0 =	sne.s32 s0, $0x3EC0;
	[tilespmem:s1+$0x15000] =	vst v2;
	s1 =	smov.u32 s0;
	s0 =	sadd.s32 $0x40, s0  }
.Ltmp2:
0x1f: {  	(pc) =	sbr.rel @p0 .LBB2_2-.Ltmp2, $2  }
0x20: {  	_ =	sdelay $0x2  }
0x21: {  	s1 =	sshra.s32 s1, $0x2  }
.Ltmp3:
0x22: {  	(pc) =	sbr.rel .LBB2_4-.Ltmp3, $2  }
0x23: {  	_ =	sdelay $0x2  }
0x24: {  	[tilespmem:s1+$0x15000] =	vst v2;
	s21 =	simm.s32 $0x0;
	s22 =	simm.s32 $0x0  }
.LBB2_15:
0x25: {  	s22 =	sadd.s32 $0x1, s22  }
0x26: {  	p0 =	sne.s32 s22, $0x28  }
.Ltmp4:
0x27: {  	_ = 	snop;
	(pc) =	sbr.rel @!p0 .LBB2_16-.Ltmp4, $2  }
0x28: {  	_ =	sdelay $0x2  }
0x29: {  	s21 =	sadd.s32 $0xFA0, s21  }
.LBB2_4:
0x2a: {  	s0 =	smul.u32 $0xFA0, s22;
	_ =	sdelay $0x1  }
0x2b: {  	s0 =	sshrl.u32 s0, $0x3  }
0x2c: {  	s0 =	sadd.s32 s5, s0  }
0x2d: {  	[tilespmem:s9], [sflag:$0x2] =	stream.linear.gather [hbm4b:s0+s20], $0xFA0, $0x38;
	[tilespmem:$0x1A000] =	vst v63  }
0x2e: {  	_ =	swait.ge [sflag:s8], $0xFA0  }
0x2f: {  	[sflag:s8] =	ssyncset.done $0x0  }
0x30: {  	s29 =	simm.s32 $0x0;
	[sflag:s8] =	ssyncadd.s32 $0xFFFFF060  }
0x31: {  	v21 =	vld [tilespmem:s29+$0x14000];
	_ =	sdelay $0x4  }
0x32: {  	v21 =	vadd.s32 v0, v21  }
0x33: {  	vm1 =	vlt.u32 v21, $0x140  }
0x34: {  	v22 =	vsel vm1, $0x1, v2  }
0x35: {  	(xrf0) =	vadd.scan.msk.s32 $0xffff, v22;
	_ =	sdelay $0x5  }
0x36: {  	s30 =	simm.s32 $0xFFFFFFFF;
	v22, _, _ =	vpop (xrf0)  }
0x37: {  	v22 =	vadd.s32 s30, v22;
	_ =	sdelay $0x3  }
0x38: {  	v23 =	vor.u32 s21, v1  }
0x39: {  	[tilespmem:v22+s10+$0x0] =	vst.idx.msk vm1, v23;
	v23 =	vxor.u32 $0x80000000, v22  }
0x3a: {  	(xrf0) =	vmax.scan.msk.u32 $0xffff, v23;
	_ =	sdelay $0x5  }
0x3b: {  	[tilespmem:v22+s11+$0x0] =	vst.idx.msk vm1, v21;
	v22, _, _ =	vpop (xrf0)  }
0x3c: {  	(v2sf) =	vpush v22, $0xF;
	_ =	sdelay $0x1  }
0x3d: {  	s31 =	simm.s32 $0x10  }
0x3e: {  	v21 =	vld [tilespmem:s31+$0x14000];
	_ =	sdelay $0x4  }
0x3f: {  	v21 =	vadd.s32 v0, v21  }
0x40: {  	vm1 =	vlt.u32 v21, $0x140  }
0x41: {  	s2 =	simm.s32 $0xC0;
	s1 =	smov.u32 s21;
	s0 =	simm.s32 $0x80;
	v22 =	vsel vm1, $0x1, v2  }
.LBB2_5:
0x42: {  	p0 =	sne.s32 s2, $0x3E40;
	(xrf0) =	vadd.scan.msk.s32 $0xffff, v22;
	_ =	sdelay $0x3  }
0x43: {  	s6 =	spop (v2sf)  }
0x44: {  	s6 =	sadd.s32 $0x80000001, s6  }
0x45: {  	s6 =	sadd.s32 $0xFFFFFFFF, s6;
	v22, _, _ =	vpop (xrf0)  }
0x46: {  	v22 =	vadd.s32 s6, v22  }
0x47: {  	v23 =	vxor.u32 $0x80000000, v22  }
0x48: {  	(xrf0) =	vmax.scan.msk.u32 $0xffff, v23  }
0x49: {  	s1 =	sadd.s32 $0x10, s1  }
0x4a: {  	v23 =	vor.u32 s1, v1  }
0x4b: {  	[tilespmem:v22+s10+$0x0] =	vst.idx.msk vm1, v23  }
0x4c: {  	[tilespmem:v22+s11+$0x0] =	vst.idx.msk vm1, v21;
	_ =	sdelay $0x1  }
0x4d: {  	v21, _, _ =	vpop (xrf0)  }
0x4e: {  	(v2sf) =	vpush v21, $0xF;
	_ =	sdelay $0x1  }
0x4f: {  	s6 =	sshra.s32 s0, $0x2;
	s0 =	smov.u32 s2  }
0x50: {  	v21 =	vld [tilespmem:s6+$0x14000];
	_ =	sdelay $0x2  }
.Ltmp5:
0x51: {  	(pc) =	sbr.rel @p0 .LBB2_5-.Ltmp5, $4  }
0x52: {  	_ = 	snop  }
0x53: {  	v21 =	vadd.s32 v0, v21  }
0x54: {  	vm1 =	vlt.u32 v21, $0x140  }
0x55: {  	s2 =	sadd.s32 $0x40, s2;
	v22 =	vsel vm1, $0x1, v2  }
0x56: {  	(xrf0) =	vadd.scan.msk.s32 $0xffff, v22;
	_ =	sdelay $0x3  }
0x57: {  	s2 =	spop (v2sf)  }
0x58: {  	s2 =	sadd.s32 $0x80000001, s2  }
0x59: {  	s2 =	sadd.s32 $0xFFFFFFFF, s2;
	v22, _, _ =	vpop (xrf0)  }
0x5a: {  	v22 =	vadd.s32 s2, v22  }
0x5b: {  	v23 =	vxor.u32 $0x80000000, v22  }
0x5c: {  	(xrf0) =	vmax.scan.msk.u32 $0xffff, v23;
	_ =	sdelay $0x5  }
0x5d: {  	s1 =	sadd.s32 $0x10, s1;
	v23, _, _ =	vpop (xrf0)  }
0x5e: {  	(v2sf) =	vpush v23, $0xF;
	v23 =	vor.u32 s1, v1  }
0x5f: {  	[tilespmem:v22+s10+$0x0] =	vst.idx.msk vm1, v23  }
0x60: {  	s0 =	sshra.s32 s0, $0x2;
	[tilespmem:v22+s11+$0x0] =	vst.idx.msk vm1, v21  }
0x61: {  	v21 =	vld [tilespmem:s0+$0x14000];
	_ =	sdelay $0x4  }
0x62: {  	v21 =	vadd.s32 v0, v21  }
0x63: {  	vm1 =	vlt.u32 v21, $0x140  }
0x64: {  	v22 =	vsel vm1, $0x1, v2  }
0x65: {  	(xrf0) =	vadd.scan.msk.s32 $0xffff, v22;
	_ =	sdelay $0x3  }
0x66: {  	s26 =	spop (v2sf)  }
0x67: {  	s0 =	sadd.s32 $0x80000001, s26  }
0x68: {  	s0 =	sadd.s32 $0xFFFFFFFF, s0;
	v22, _, _ =	vpop (xrf0)  }
0x69: {  	v22 =	vadd.s32 s0, v22  }
0x6a: {  	v23 =	vxor.u32 $0x80000000, v22  }
0x6b: {  	(xrf0) =	vmax.scan.msk.u32 $0xffff, v23;
	_ =	sdelay $0x5  }
0x6c: {  	v23, _, _ =	vpop (xrf0)  }
0x6d: {  	(v2sf) =	vpush v23, $0xF;
	_ =	sdelay $0xe  }
0x6e: {  	s30 =	spop (v2sf)  }
0x6f: {  	s31 =	sadd.s32 $0x80000030, s30  }
0x70: {  	s6 =	smulhi.u32 $0x2AAAAAAB, s31;
	s23 =	sshra.s32 s31, $0x1F  }
0x71: {  	s23 =	smul.u32 $0x2AAAAAAB, s23;
	_ =	sdelay $0x1  }
0x72: {  	s6 =	sadd.s32 s23, s6  }
0x73: {  	s23 =	sshrl.u32 s6, $0x1F;
	s6 =	sshra.s32 s6, $0x3  }
0x74: {  	s6 =	sadd.s32 s23, s6  }
0x75: {  	s23 =	smul.u32 $0xFFFFFFD0, s6  }
0x76: {  	s24 =	ssub.s32 $0x7FFFFFD0, s30  }
0x77: {  	p0 =	slt.s32 s31, $0x1;
	p1 =	sne.s32 s23, s24  }
0x78: {  	p0 =	por !p0, !p1  }
0x79: {  	s2 =	simm.s32 $0x1;
	p0 =	por !p0, !p0  }
0x7a: {  	s2 =	simm.s32 @!p0 $0x0  }
0x7b: {  	s23 =	ssub.s32 s6, s2  }
0x7c: {  	p0 =	slt.s32 s23, $0x1  }
.Ltmp6:
0x7d: {  	_ = 	snop;
	(pc) =	sbr.rel @!p0 .LBB2_7-.Ltmp6, $4  }
.Ltmp7:
0x7e: {  	s1 =	sadd.s32 $0x10, s1;
	(pc) =	sbr.rel @p0 .LBB2_15-.Ltmp7, $4  }
0x7f: {  	v23 =	vor.u32 s1, v1  }
0x80: {  	[tilespmem:v22+s10+$0x0] =	vst.idx.msk vm1, v23;
	s24 =	sadd.s32 $0x80000001, s30  }
0x81: {  	s29 =	simm.s32 $0x0;
	s26 =	simm.s32 $0x0;
	[tilespmem:v22+s11+$0x0] =	vst.idx.msk vm1, v21;
	s28 =	smov.u32 s24  }
0x82: {  	_ = 	snop  }
.LBB2_9:
0x83: {  	s1 =	simm.s32 $0x0;
	s30 =	simm.s32 $0x0  }
.LBB2_13:
0x84: {  	_ =	sdelay $0x3  }
0x85: {  	[tilespmem:v23+s3+$0x0] =	vst.idx.add.f32.msk @p0 $0xffff, v22  }
0x86: {  	v21 =	vld.idx.msk [tilespmem:v21+s11+$0x0], $0xffff;
	_ =	sdelay $0x3  }
0x87: {  	s0 =	sadd.s32 @p0 $0x80, s1;
	s1 =	simm.s32 $0x0  }
0x88: {  	s1 =	smov.u32 @p0 s0;
	v22 =	vshll.u32 v21, $0x8;
	v21 =	vshll.u32 v21, $0x7  }
0x89: {  	s31 =	sand.u32 $0xFFFFF800, s30;
	s1 =	sand.u32 $0x380, s1;
	v22 =	vand.u32 $0xFFFFF800, v22;
	v21 =	vand.u32 $0x380, v21  }
0x8a: {  	s0 =	sor.u32 s1, s31;
	v21 =	vor.u32 v21, v22  }
0x8b: {  	v22 =	vld [tilespmem:s0+$0x17000];
	v23 =	vor.u32 v1, v21;
	_ =	sdelay $0x4  }
0x8c: {  	s0 =	sadd.s32 $0x17000, s0;
	[tilespmem:v23+s3+$0x0] =	vst.idx.add.f32.msk $0xffff, v22  }
0x8d: {  	v23 =	vor.u32 v6, v21;
	v22 =	vld [tilespmem:s0+$0x10];
	_ =	sdelay $0x4  }
0x8e: {  	[tilespmem:v23+s3+$0x0] =	vst.idx.add.f32.msk $0xffff, v22  }
0x8f: {  	v23 =	vor.u32 v7, v21;
	v22 =	vld [tilespmem:s0+$0x20];
	_ =	sdelay $0x4  }
0x90: {  	[tilespmem:v23+s3+$0x0] =	vst.idx.add.f32.msk $0xffff, v22  }
0x91: {  	v23 =	vor.u32 v8, v21;
	v22 =	vld [tilespmem:s0+$0x30];
	_ =	sdelay $0x4  }
0x92: {  	[tilespmem:v23+s3+$0x0] =	vst.idx.add.f32.msk $0xffff, v22  }
0x93: {  	v23 =	vor.u32 v9, v21;
	v22 =	vld [tilespmem:s0+$0x40];
	_ =	sdelay $0x4  }
0x94: {  	[tilespmem:v23+s3+$0x0] =	vst.idx.add.f32.msk $0xffff, v22  }
0x95: {  	v23 =	vor.u32 v10, v21;
	v22 =	vld [tilespmem:s0+$0x50];
	_ =	sdelay $0x4  }
0x96: {  	[tilespmem:v23+s3+$0x0] =	vst.idx.add.f32.msk $0xffff, v22  }
0x97: {  	v23 =	vor.u32 v11, v21;
	v22 =	vld [tilespmem:s0+$0x60];
	_ =	sdelay $0x4  }
0x98: {  	[tilespmem:v23+s3+$0x0] =	vst.idx.add.f32.msk $0xffff, v22  }
0x99: {  	v23 =	vor.u32 v12, v21;
	v22 =	vld [tilespmem:s0+$0x70];
	_ =	sdelay $0x4  }
0x9a: {  	[tilespmem:v23+s3+$0x0] =	vst.idx.add.f32.msk $0xffff, v22  }
0x9b: {  	v23 =	vor.u32 v13, v21;
	v22 =	vld [tilespmem:s0+$0x400];
	_ =	sdelay $0x4  }
0x9c: {  	[tilespmem:v23+s3+$0x0] =	vst.idx.add.f32.msk $0xffff, v22  }
0x9d: {  	v23 =	vor.u32 v14, v21;
	v22 =	vld [tilespmem:s0+$0x410];
	_ =	sdelay $0x4  }
0x9e: {  	[tilespmem:v23+s3+$0x0] =	vst.idx.add.f32.msk $0xffff, v22  }
0x9f: {  	v23 =	vor.u32 v15, v21;
	v22 =	vld [tilespmem:s0+$0x420];
	_ =	sdelay $0x4  }
0xa0: {  	[tilespmem:v23+s3+$0x0] =	vst.idx.add.f32.msk $0xffff, v22  }
0xa1: {  	v23 =	vor.u32 v16, v21;
	v22 =	vld [tilespmem:s0+$0x430];
	_ =	sdelay $0x4  }
0xa2: {  	[tilespmem:v23+s3+$0x0] =	vst.idx.add.f32.msk $0xffff, v22  }
0xa3: {  	v23 =	vor.u32 v17, v21;
	v22 =	vld [tilespmem:s0+$0x440];
	_ =	sdelay $0x4  }
0xa4: {  	[tilespmem:v23+s3+$0x0] =	vst.idx.add.f32.msk $0xffff, v22  }
0xa5: {  	v23 =	vor.u32 v18, v21;
	v22 =	vld [tilespmem:s0+$0x450];
	_ =	sdelay $0x4  }
0xa6: {  	[tilespmem:v23+s3+$0x0] =	vst.idx.add.f32.msk $0xffff, v22  }
0xa7: {  	v23 =	vor.u32 v19, v21;
	v22 =	vld [tilespmem:s0+$0x460];
	_ =	sdelay $0x4  }
0xa8: {  	[tilespmem:v23+s3+$0x0] =	vst.idx.add.f32.msk $0xffff, v22  }
0xa9: {  	v21 =	vor.u32 v20, v21;
	v22 =	vld [tilespmem:s0+$0x470];
	_ =	sdelay $0x4  }
0xaa: {  	[tilespmem:v21+s3+$0x0] =	vst.idx.add.f32.msk $0xffff, v22  }
.LBB2_14:
0xab: {  	s29 =	sadd.s32 $0x1, s29  }
0xac: {  	p0 =	sne.s32 s29, s23  }
.Ltmp8:
0xad: {  	_ = 	snop;
	(pc) =	sbr.rel @!p0 .LBB2_15-.Ltmp8, $2  }
0xae: {  	_ =	sdelay $0x2  }
0xaf: {  	s28 =	sadd.s32 $0xFFFFFFD0, s28;
	s26 =	sadd.s32 $0x30, s26  }
.LBB2_7:
0xb0: {  	s0 =	smul.u32 $0x30, s29;
	_ =	sdelay $0x1  }
0xb1: {  	v21 =	vld [tilespmem:s0+$0x15000];
	_ =	sdelay $0x4  }
0xb2: {  	v22 =	vshll.u32 v21, $0x1  }
0xb3: {  	v21 =	vand.u32 $0x7, v21;
	v22 =	vand.u32 $0xFFFFFFF0, v22  }
0xb4: {  	v21 =	vor.u32 v21, v22  }
0xb5: {  	v22 =	vperm.xlane v21, v3;
	_ =	sdelay $0x1  }
0xb6: {  	v21 =	vperm.xlane v21, v5;
	v22 =	vadd.s32 v4, v22;
	_ =	sdelay $0x1  }
0xb7: {  	v21 =	vadd.s32 v4, v21;
	_ =	sdelay $0x2  }
0xb8: {  	[tilespmem:s13], [sflag:$0x1] =	stream.indirect_vreg.gather [hbm4b:s4+s25], $0x80, v22, vm0, $0xb8;
	[tilespmem:$0x1A000] =	vst v63  }
0xb9: {  	_ = 	snop  }
0xba: {  	[tilespmem:s14], [sflag:$0x1] =	stream.indirect_vreg.gather [hbm4b:s4+s25], $0x80, v21, vm0, $0xb8;
	[tilespmem:$0x1A000] =	vst v63  }
0xbb: {  	v21 =	vld [tilespmem:s0+$0x15010];
	_ =	sdelay $0x4  }
0xbc: {  	v22 =	vshll.u32 v21, $0x1  }
0xbd: {  	v21 =	vand.u32 $0x7, v21;
	v22 =	vand.u32 $0xFFFFFFF0, v22  }
0xbe: {  	v21 =	vor.u32 v21, v22  }
0xbf: {  	v22 =	vperm.xlane v21, v3;
	_ =	sdelay $0x1  }
0xc0: {  	v21 =	vperm.xlane v21, v5;
	v22 =	vadd.s32 v4, v22;
	_ =	sdelay $0x1  }
0xc1: {  	v21 =	vadd.s32 v4, v21;
	_ =	sdelay $0x2  }
0xc2: {  	[tilespmem:s15], [sflag:$0x1] =	stream.indirect_vreg.gather [hbm4b:s4+s25], $0x80, v22, vm0, $0xb8;
	[tilespmem:$0x1A000] =	vst v63  }
0xc3: {  	_ = 	snop  }
0xc4: {  	[tilespmem:s16], [sflag:$0x1] =	stream.indirect_vreg.gather [hbm4b:s4+s25], $0x80, v21, vm0, $0xb8;
	[tilespmem:$0x1A000] =	vst v63  }
0xc5: {  	v21 =	vld [tilespmem:s0+$0x15020];
	_ =	sdelay $0x4  }
0xc6: {  	v22 =	vshll.u32 v21, $0x1  }
0xc7: {  	v21 =	vand.u32 $0x7, v21;
	v22 =	vand.u32 $0xFFFFFFF0, v22  }
0xc8: {  	v21 =	vor.u32 v21, v22  }
0xc9: {  	v22 =	vperm.xlane v21, v3;
	_ =	sdelay $0x1  }
0xca: {  	v21 =	vperm.xlane v21, v5;
	v22 =	vadd.s32 v4, v22;
	_ =	sdelay $0x1  }
0xcb: {  	v21 =	vadd.s32 v4, v21  }
0xcc: {  	s0 =	ssub.s32 s24, s0  }
0xcd: {  	p0 =	slt.s32 s0, $0x1  }
0xce: {  	[tilespmem:s17], [sflag:$0x1] =	stream.indirect_vreg.gather [hbm4b:s4+s25], $0x80, v22, vm0, $0xb8;
	[tilespmem:$0x1A000] =	vst v63  }
.Ltmp9:
0xcf: {  	_ = 	snop;
	(pc) =	sbr.rel @p0 .LBB2_14-.Ltmp9, $4  }
0xd0: {  	[tilespmem:s18], [sflag:$0x1] =	stream.indirect_vreg.gather [hbm4b:s4+s25], $0x80, v21, vm0, $0xb8;
	[tilespmem:$0x1A000] =	vst v63  }
0xd1: {  	_ =	swait.ge [sflag:s12], $0x3000  }
0xd2: {  	[sflag:s12] =	ssyncset.done $0x0  }
0xd3: {  	[sflag:s12] =	ssyncadd.s32 $0xFFFFD000  }
0xd4: {  	p0 =	sgt.s32 s28, $0x1;
	s0 =	smov.u32 s28  }
0xd5: {  	s0 =	simm.s32 @!p0 $0x1  }
0xd6: {  	s0 =	smin.u32 s0, $0x30  }
0xd7: {  	s31 =	sshll.u32 s0, $0x8  }
0xd8: {  	p1 =	sne.s32 s31, $0x100  }
.Ltmp10:
0xd9: {  	_ = 	snop;
	(pc) =	sbr.rel @!p1 .LBB2_9-.Ltmp10, $2  }
0xda: {  	_ =	sdelay $0x2  }
0xdb: {  	s30 =	simm.s32 $0x100;
	v21 =	vmov s26;
	p0 =	por $0x0, $0x0  }
0xdc: {  	_ =	sdelay $0x3  }
0xdd: {  	v21 =	vld.idx.msk [tilespmem:v21+s11+$0x0], $0xffff;
	_ =	sdelay $0x4  }
0xde: {  	v22 =	vshll.u32 v21, $0x8;
	v21 =	vshll.u32 v21, $0x7  }
0xdf: {  	s0 =	sand.u32 $0xFFFFF800, s25;
	s1 =	sand.u32 $0x380, s25;
	v22 =	vand.u32 $0xFFFFF800, v22;
	v21 =	vand.u32 $0x380, v21  }
0xe0: {  	s0 =	sor.u32 s1, s0;
	v21 =	vor.u32 v21, v22  }
0xe1: {  	v22 =	vld [tilespmem:s0+$0x17000];
	v23 =	vor.u32 v1, v21;
	_ =	sdelay $0x4  }
0xe2: {  	s1 =	sadd.s32 $0x17000, s0;
	[tilespmem:v23+s3+$0x0] =	vst.idx.add.f32.msk $0xffff, v22  }
0xe3: {  	v23 =	vor.u32 v6, v21;
	v22 =	vld [tilespmem:s1+$0x10];
	_ =	sdelay $0x4  }
0xe4: {  	[tilespmem:v23+s3+$0x0] =	vst.idx.add.f32.msk $0xffff, v22  }
0xe5: {  	v23 =	vor.u32 v7, v21;
	v22 =	vld [tilespmem:s1+$0x20];
	_ =	sdelay $0x4  }
0xe6: {  	[tilespmem:v23+s3+$0x0] =	vst.idx.add.f32.msk $0xffff, v22  }
0xe7: {  	v23 =	vor.u32 v8, v21;
	v22 =	vld [tilespmem:s1+$0x30];
	_ =	sdelay $0x4  }
0xe8: {  	[tilespmem:v23+s3+$0x0] =	vst.idx.add.f32.msk $0xffff, v22  }
0xe9: {  	v23 =	vor.u32 v9, v21;
	v22 =	vld [tilespmem:s1+$0x40];
	_ =	sdelay $0x4  }
0xea: {  	[tilespmem:v23+s3+$0x0] =	vst.idx.add.f32.msk $0xffff, v22  }
0xeb: {  	v23 =	vor.u32 v10, v21;
	v22 =	vld [tilespmem:s1+$0x50];
	_ =	sdelay $0x4  }
0xec: {  	[tilespmem:v23+s3+$0x0] =	vst.idx.add.f32.msk $0xffff, v22  }
0xed: {  	v23 =	vor.u32 v11, v21;
	v22 =	vld [tilespmem:s1+$0x60];
	_ =	sdelay $0x4  }
0xee: {  	[tilespmem:v23+s3+$0x0] =	vst.idx.add.f32.msk $0xffff, v22  }
0xef: {  	v23 =	vor.u32 v12, v21;
	v22 =	vld [tilespmem:s1+$0x70];
	_ =	sdelay $0x4  }
0xf0: {  	[tilespmem:v23+s3+$0x0] =	vst.idx.add.f32.msk $0xffff, v22  }
0xf1: {  	v23 =	vor.u32 v13, v21;
	v22 =	vld [tilespmem:s1+$0x400];
	_ =	sdelay $0x4  }
0xf2: {  	[tilespmem:v23+s3+$0x0] =	vst.idx.add.f32.msk $0xffff, v22  }
0xf3: {  	v23 =	vor.u32 v14, v21;
	v22 =	vld [tilespmem:s1+$0x410];
	_ =	sdelay $0x4  }
0xf4: {  	[tilespmem:v23+s3+$0x0] =	vst.idx.add.f32.msk $0xffff, v22  }
0xf5: {  	v23 =	vor.u32 v15, v21;
	v22 =	vld [tilespmem:s1+$0x420];
	_ =	sdelay $0x4  }
0xf6: {  	[tilespmem:v23+s3+$0x0] =	vst.idx.add.f32.msk $0xffff, v22  }
0xf7: {  	v23 =	vor.u32 v16, v21;
	v22 =	vld [tilespmem:s1+$0x430];
	_ =	sdelay $0x4  }
0xf8: {  	[tilespmem:v23+s3+$0x0] =	vst.idx.add.f32.msk $0xffff, v22  }
0xf9: {  	v23 =	vor.u32 v17, v21;
	v22 =	vld [tilespmem:s1+$0x440];
	_ =	sdelay $0x4  }
0xfa: {  	[tilespmem:v23+s3+$0x0] =	vst.idx.add.f32.msk $0xffff, v22  }
0xfb: {  	v23 =	vor.u32 v18, v21;
	v22 =	vld [tilespmem:s1+$0x450];
	_ =	sdelay $0x4  }
0xfc: {  	[tilespmem:v23+s3+$0x0] =	vst.idx.add.f32.msk $0xffff, v22  }
0xfd: {  	v23 =	vor.u32 v19, v21;
	v22 =	vld [tilespmem:s1+$0x460];
	_ =	sdelay $0x4  }
0xfe: {  	p1 =	sne.s32 s31, $0x200;
	[tilespmem:v23+s3+$0x0] =	vst.idx.add.f32.msk $0xffff, v22  }
.Ltmp11:
0xff: {  	s0 =	sadd.s32 $0x1, s26;
	v23 =	vor.u32 v20, v21;
	v22 =	vld [tilespmem:s1+$0x470];
	(pc) =	sbr.rel @!p1 .LBB2_11-.Ltmp11, $2  }
0x100: {  	v21 =	vmov s0;
	_ =	sdelay $0x2  }
0x101: {  	s2 =	simm.s32 $0x200;
	p0 =	por $0x1, $0x1;
	s1 =	simm.s32 $0x0  }
.LBB2_12:
0x102: {  	[tilespmem:v23+s3+$0x0] =	vst.idx.add.f32.msk $0xffff, v22;
	s1 =	sadd.s32 $0x80, s1;
	s6 =	smov.u32 s2;
	s2 =	sadd.s32 $0x100, s2  }
0x103: {  	p1 =	sne.s32 s31, s2;
	v21 =	vld.idx.msk [tilespmem:v21+s11+$0x0], $0xffff;
	_ =	sdelay $0x5  }
0x104: {  	v22 =	vshll.u32 v21, $0x8;
	v21 =	vshll.u32 v21, $0x7  }
0x105: {  	s7 =	sand.u32 $0xFFFFF800, s30;
	s19 =	sand.u32 $0x380, s1;
	s30 =	smov.u32 s6;
	v22 =	vand.u32 $0xFFFFF800, v22;
	v21 =	vand.u32 $0x380, v21  }
0x106: {  	s6 =	sor.u32 s19, s7;
	v21 =	vor.u32 v21, v22  }
0x107: {  	v23 =	vor.u32 v1, v21;
	v22 =	vld [tilespmem:s6+$0x17000];
	_ =	sdelay $0x4  }
0x108: {  	s6 =	sadd.s32 $0x17000, s6;
	[tilespmem:v23+s3+$0x0] =	vst.idx.add.f32.msk $0xffff, v22  }
0x109: {  	v23 =	vor.u32 v6, v21;
	v22 =	vld [tilespmem:s6+$0x10];
	_ =	sdelay $0x4  }
0x10a: {  	[tilespmem:v23+s3+$0x0] =	vst.idx.add.f32.msk $0xffff, v22  }
0x10b: {  	v23 =	vor.u32 v7, v21;
	v22 =	vld [tilespmem:s6+$0x20];
	_ =	sdelay $0x4  }
0x10c: {  	[tilespmem:v23+s3+$0x0] =	vst.idx.add.f32.msk $0xffff, v22  }
0x10d: {  	v23 =	vor.u32 v8, v21;
	v22 =	vld [tilespmem:s6+$0x30];
	_ =	sdelay $0x4  }
0x10e: {  	[tilespmem:v23+s3+$0x0] =	vst.idx.add.f32.msk $0xffff, v22  }
0x10f: {  	v23 =	vor.u32 v9, v21;
	v22 =	vld [tilespmem:s6+$0x40];
	_ =	sdelay $0x4  }
0x110: {  	[tilespmem:v23+s3+$0x0] =	vst.idx.add.f32.msk $0xffff, v22  }
0x111: {  	v23 =	vor.u32 v10, v21;
	v22 =	vld [tilespmem:s6+$0x50];
	_ =	sdelay $0x4  }
0x112: {  	[tilespmem:v23+s3+$0x0] =	vst.idx.add.f32.msk $0xffff, v22  }
0x113: {  	v23 =	vor.u32 v11, v21;
	v22 =	vld [tilespmem:s6+$0x60];
	_ =	sdelay $0x4  }
0x114: {  	[tilespmem:v23+s3+$0x0] =	vst.idx.add.f32.msk $0xffff, v22  }
0x115: {  	v23 =	vor.u32 v12, v21;
	v22 =	vld [tilespmem:s6+$0x70];
	_ =	sdelay $0x4  }
0x116: {  	[tilespmem:v23+s3+$0x0] =	vst.idx.add.f32.msk $0xffff, v22  }
0x117: {  	v23 =	vor.u32 v13, v21;
	v22 =	vld [tilespmem:s6+$0x400];
	_ =	sdelay $0x4  }
0x118: {  	[tilespmem:v23+s3+$0x0] =	vst.idx.add.f32.msk $0xffff, v22  }
0x119: {  	v23 =	vor.u32 v14, v21;
	v22 =	vld [tilespmem:s6+$0x410];
	_ =	sdelay $0x4  }
0x11a: {  	[tilespmem:v23+s3+$0x0] =	vst.idx.add.f32.msk $0xffff, v22  }
0x11b: {  	v23 =	vor.u32 v15, v21;
	v22 =	vld [tilespmem:s6+$0x420];
	_ =	sdelay $0x4  }
0x11c: {  	[tilespmem:v23+s3+$0x0] =	vst.idx.add.f32.msk $0xffff, v22  }
0x11d: {  	v23 =	vor.u32 v16, v21;
	v22 =	vld [tilespmem:s6+$0x430];
	_ =	sdelay $0x4  }
0x11e: {  	[tilespmem:v23+s3+$0x0] =	vst.idx.add.f32.msk $0xffff, v22  }
0x11f: {  	v23 =	vor.u32 v17, v21;
	v22 =	vld [tilespmem:s6+$0x440];
	_ =	sdelay $0x4  }
0x120: {  	[tilespmem:v23+s3+$0x0] =	vst.idx.add.f32.msk $0xffff, v22  }
0x121: {  	v23 =	vor.u32 v18, v21;
	v22 =	vld [tilespmem:s6+$0x450];
	_ =	sdelay $0x4  }
0x122: {  	[tilespmem:v23+s3+$0x0] =	vst.idx.add.f32.msk $0xffff, v22  }
0x123: {  	v23 =	vor.u32 v19, v21;
	v22 =	vld [tilespmem:s6+$0x460];
	_ =	sdelay $0x2  }
.Ltmp12:
0x124: {  	(pc) =	sbr.rel @p1 .LBB2_12-.Ltmp12, $4  }
0x125: {  	_ = 	snop  }
0x126: {  	[tilespmem:v23+s3+$0x0] =	vst.idx.add.f32.msk $0xffff, v22  }
0x127: {  	s0 =	sadd.s32 $0x1, s0;
	v23 =	vor.u32 v20, v21;
	v22 =	vld [tilespmem:s6+$0x470]  }
0x128: {  	v21 =	vmov s0  }
.Ltmp13:
0x129: {  	_ = 	snop;
	(pc) =	sbr.rel .LBB2_13-.Ltmp13, $1  }
0x12a: {  	_ =	sdelay $0x3  }
.LBB2_11:
.Ltmp14:
0x12b: {  	(pc) =	sbr.rel .LBB2_13-.Ltmp14, $2  }
0x12c: {  	_ =	sdelay $0x2  }
0x12d: {  	s1 =	simm.s32 $0x0  }
.LBB2_17:
0x12e: {  	_ =	sfence.sel $0x180000  }
0x12f: {  	[bflag:$0x0] =	sbarrier.arrive $0xFFFF  }
0x130: {  	_ =	strace $0x9000004A  }
0x131: {  	s0 =	stileid.u32;
	[bflag:$0x2] =	sbarrier.arrive $0xFFFF  }
0x132: {  	p0 =	sne.s32 s0, $0x0;
	s0 =	rddreg [dreg:$0x2]  }
0x133: {  	s0 =	sadd.s32 @!p0 $0x100000, s0  }
0x134: {  	[sflag:s0] =	ssyncadd.tile.s32 @!p0 $0x1;
	_ =	shalt  }
.Lfunc_end2:
_tile_overlayer_lowered:
.L_overlay_start_2:
0x135: {  	(tag) =	ssettag $0x2  }
0x136: {  	s0 =	rddreg [dreg:$0x0];
	s2 =	stileid.u32  }
0x137: {  	s1 =	rddreg [dreg:$0x1];
	p0 =	sne.s32 s2, $0x0  }
0x138: {  	s3 =	rddreg [dreg:$0x2];
	[bflag:$0x3] =	sbarrier.arrive $0xFFFF;
	s2 =	simm.s32 @!p0 $0x1C02  }
0x139: {  	[timem:s3], [sflag:s2] =	dma.local @!p0 [hbm:s0], s1  }
0x13a: {  	s0 =	simm.s32 @!p0 $0x2  }
0x13b: {  	_ =	swait.ge @!p0 [sflag:s0], s1  }
0x13c: {  	s1 =	ssub.s32 @!p0 $0x0, s1;
	[sflag:s0] =	ssyncset.done @!p0 $0x0  }
0x13d: {  	[sflag:s0] =	ssyncadd.s32 @!p0 s1  }
0x13e: {  	[bflag:$0x3] =	sbarrier.arrive $0xFFFF  }
0x13f: {  	_ =	shalt  }

// kernel: kernel.7.cloned.1.call-start
scs
__scs_entry_jumppad:
0x0: {  	(pc) =	sbr.rel $0x88, $3  }
0x1: {  	(tag) =	ssettag $0x0;
	lr =	simm.s32 $0x1  }
0x2: {  	[smem:$0x3F86] =	sst lr;
	_ =	strace $0xD0000000  }
0x3: {  	_ = 	snop  }
0x4: {  	_ = 	snop  }
0x5: {  	_ = 	snop  }
0x6: {  	_ = 	snop  }
0x7: {  	_ = 	snop  }
__scs_overlays_trampoline_lowered:
0x8: {  	[smem:$0x3F95] =	sst s0  }
0x9: {  	[smem:$0x3F96] =	sst s1  }
0xa: {  	[smem:$0x3F97] =	sst s2  }
0xb: {  	[smem:$0x3F98] =	sst s3  }
0xc: {  	[smem:$0x3F99] =	sst s4  }
0xd: {  	[smem:$0x3F9A] =	sst s5  }
0xe: {  	[smem:$0x3F9B] =	sst s6  }
0xf: {  	[smem:$0x3F9C] =	sst s7  }
0x10: {  	[smem:$0x3F9D] =	sst s8  }
0x11: {  	[smem:$0x3F9E] =	sst s9;
	s0 =	simm.s32 @!p0 $0x0  }
0x12: {  	s1 =	sld [smem:$0x3F84];
	s0 =	simm.s32 @p0 $0x1  }
0x13: {  	[smem:$0x3F9F] =	sst s0;
	s0 =	simm.s32 @!p1 $0x0  }
0x14: {  	s2 =	sld [smem:$0x3F83];
	s0 =	simm.s32 @p1 $0x1  }
0x15: {  	[smem:$0x3FA0] =	sst s0;
	s0 =	simm.s32 @!p2 $0x0  }
0x16: {  	s3 =	sld [smem:$0x3FDB];
	s0 =	simm.s32 @p2 $0x1  }
0x17: {  	s4 =	simm.s32 $0x1BF5;
	[smem:$0x3FA2] =	sst s0  }
0x18: {  	s0 =	sld [smem:$0x3F85];
	_ =	swait.ge [sflag:s4], $0x0  }
0x19: {  	s7 =	sld [smem:$0x3F86]  }
0x1a: {  	s8 =	sadd.s32 $0xFFFFE003, lr  }
0x1b: {  	s9 =	sadd.s32 $0xFFFFFEF7, lr;
	s5 =	simm.s32 $0xFFFFFFFF;
	p2 =	slt.u32 s8, $0xFFFFF086  }
0x1c: {  	p1 =	slt.u32 s9, $0xF7A;
	s5 =	simm.s32 @!p2 $0x0  }
0x1d: {  	s5 =	simm.s32 @p1 $0x1;
	p0 =	seq.s32 s7, s2  }
0x1e: {  	s7 =	smul.u32 @!p0 $0xF7A, s2;
	p2 =	seq.s32 @!p0 s5, $0x0  }
0x1f: {  	s9 =	smul.u32 $0xF7A, s1;
	s8 =	simm.s32 @!p0 $0x1BF5;
	p2 =	por !p2, p0  }
0x20: {  	[sflag:s8] =	ssyncset.s32 @!p0 $0xFFFFF086;
	s6 =	sadd.s32 @!p0 s3, s7;
	s7 =	simm.s32 @!p0 $0x108  }
0x21: {  	s3 =	sadd.s32 s3, s9;
	s6 =	sadd.s32 @!p0 $0x88, s6;
	s7 =	simm.s32 @p2 $0x1082  }
0x22: {  	[simem:s7], [sflag:s8] =	dma.local @!p0 [hbm:s6], $0xF7A  }
0x23: {  	s9 =	sor.u32 $0xD0000000, s2;
	s6 =	simm.s32 $0x108;
	_ =	swait.ge @!p0 [sflag:s8], $0x0  }
0x24: {  	s3 =	sadd.s32 $0x88, s3;
	s6 =	simm.s32 @!p1 $0x1082;
	[sflag:s4] =	ssyncset.s32 $0xFFFFF086  }
0x25: {  	[simem:s6], [sflag:s4] =	dma.local [hbm:s3], $0xF7A  }
0x26: {  	[smem:$0x3F86] =	sst s1;
	(tag) =	ssettag s2;
	_ =	strace s9  }
0x27: {  	s1 =	sld [smem:$0x3F96]  }
0x28: {  	s2 =	sld [smem:$0x3F97]  }
0x29: {  	s4 =	sld [smem:$0x3F99]  }
0x2a: {  	p0 =	seq.s32 s5, $0x0;
	s5 =	sld [smem:$0x3F9A]  }
0x2b: {  	s6 =	sld [smem:$0x3F9B]  }
0x2c: {  	s7 =	sld [smem:$0x3F9C]  }
0x2d: {  	s3 =	simm.s32 $0x108;
	s8 =	sld [smem:$0x3F9D]  }
0x2e: {  	s3 =	simm.s32 @!p0 $0x1082;
	s9 =	sld [smem:$0x3F9E]  }
0x2f: {  	lr =	sadd.s32 s0, s3;
	s0 =	sld [smem:$0x3F95]  }
0x30: {  	s3 =	sld [smem:$0x3F98]  }
0x31: {  	[smem:$0x3FA1] =	sst s10  }
0x32: {  	s10 =	sld [smem:$0x3F9F];
	_ =	sdelay $0x3  }
0x33: {  	p0 =	seq.s32 s10, $0x1;
	s10 =	sld [smem:$0x3FA1];
	_ =	sdelay $0x3  }
0x34: {  	[smem:$0x3FA1] =	sst s10  }
0x35: {  	s10 =	sld [smem:$0x3FA0];
	_ =	sdelay $0x3  }
0x36: {  	p1 =	seq.s32 s10, $0x1;
	s10 =	sld [smem:$0x3FA1];
	_ =	sdelay $0x3  }
0x37: {  	[smem:$0x3FA1] =	sst s10  }
0x38: {  	s10 =	sld [smem:$0x3FA2]  }
0x39: {  	_ = 	snop;
	(pc) =	sbr.ind lr, $3  }
0x3a: {  	_ = 	snop  }
0x3b: {  	_ = 	snop  }
0x3c: {  	p2 =	seq.s32 s10, $0x1;
	s10 =	sld [smem:$0x3FA1]  }
0x3d: {  	_ =	shalt  }
0x3e: {  	_ =	shalt  }
0x3f: {  	_ =	shalt  }
0x40: {  	_ =	shalt  }
0x41: {  	_ =	shalt  }
0x42: {  	_ =	shalt  }
0x43: {  	_ =	shalt  }
0x44: {  	_ =	shalt  }
0x45: {  	_ =	shalt  }
0x46: {  	_ =	shalt  }
0x47: {  	_ =	shalt  }
0x48: {  	_ =	shalt  }
0x49: {  	_ =	shalt  }
0x4a: {  	_ =	shalt  }
0x4b: {  	_ =	shalt  }
0x4c: {  	_ =	shalt  }
0x4d: {  	_ =	shalt  }
0x4e: {  	_ =	shalt  }
0x4f: {  	_ =	shalt  }
0x50: {  	_ =	shalt  }
0x51: {  	_ =	shalt  }
0x52: {  	_ =	shalt  }
0x53: {  	_ =	shalt  }
0x54: {  	_ =	shalt  }
0x55: {  	_ =	shalt  }
0x56: {  	_ =	shalt  }
0x57: {  	_ =	shalt  }
0x58: {  	_ =	shalt  }
0x59: {  	_ =	shalt  }
0x5a: {  	_ =	shalt  }
0x5b: {  	_ =	shalt  }
0x5c: {  	_ =	shalt  }
0x5d: {  	_ =	shalt  }
0x5e: {  	_ =	shalt  }
0x5f: {  	_ =	shalt  }
0x60: {  	_ =	shalt  }
0x61: {  	_ =	shalt  }
0x62: {  	_ =	shalt  }
0x63: {  	_ =	shalt  }
0x64: {  	_ =	shalt  }
0x65: {  	_ =	shalt  }
0x66: {  	_ =	shalt  }
0x67: {  	_ =	shalt  }
0x68: {  	_ =	shalt  }
0x69: {  	_ =	shalt  }
0x6a: {  	_ =	shalt  }
0x6b: {  	_ =	shalt  }
0x6c: {  	_ =	shalt  }
0x6d: {  	_ =	shalt  }
0x6e: {  	_ =	shalt  }
0x6f: {  	_ =	shalt  }
0x70: {  	_ =	shalt  }
0x71: {  	_ =	shalt  }
0x72: {  	_ =	shalt  }
0x73: {  	_ =	shalt  }
0x74: {  	_ =	shalt  }
0x75: {  	_ =	shalt  }
0x76: {  	_ =	shalt  }
0x77: {  	_ =	shalt  }
0x78: {  	_ =	shalt  }
0x79: {  	_ =	shalt  }
0x7a: {  	_ =	shalt  }
0x7b: {  	_ =	shalt  }
0x7c: {  	_ =	shalt  }
0x7d: {  	_ =	shalt  }
0x7e: {  	_ =	shalt  }
0x7f: {  	_ =	shalt  }
0x80: {  	_ =	shalt  }
0x81: {  	_ =	shalt  }
0x82: {  	_ =	shalt  }
0x83: {  	_ =	shalt  }
0x84: {  	_ =	shalt  }
0x85: {  	_ =	shalt  }
0x86: {  	_ =	shalt  }
0x87: {  	_ =	shalt  }
.Lfunc_end0:
.L_simem_size_0:
called_computation_lowered:
.L_overlay_start_0:
0x88: {  	s2 =	sld [smem:$0x3FD9]  }
0x89: {  	s3 =	sld [smem:$0x3FFE];
	_ =	sdelay $0x1  }
0x8a: {  	s1 =	srdreg.scid  }
0x8b: {  	s0 =	sand.u32 $0x1, s1  }
0x8c: {  	s17 =	sshll.u32 s0, $0xA;
	s2 =	sadd.s32 s3, s2  }
0x8d: {  	s2 =	sadd.s32 s2, s17  }
0x8e: {  	[smem:$0x3FAD] =	sst s2  }
0x8f: {  	_ = 	snop  }
0x90: {  	s2 =	sld [smem:$0x3FD0];
	(tm) =	ssettm $0x1  }
0x91: {  	s18 =	sld [smem:$0x3FFB];
	_ =	sdelay $0x3  }
0x92: {  	_ =	strace s18  }
0x93: {  	s3 =	sld [smem:$0x3FFC];
	_ =	sdelay $0x3  }
0x94: {  	_ =	strace s3  }
0x95: {  	s3 =	sld [smem:$0x3FFD];
	_ =	sdelay $0x3  }
0x96: {  	_ =	strace s3  }
0x97: {  	_ =	strace $0x8FFFFFFF  }
0x98: {  	s19 =	sld [smem:$0x3FDB];
	_ =	sdelay $0x1  }
0x99: {  	s4 =	simm.s32 $_scs_section_size  }
0x9a: {  	s5 =	simm.s32 $_size__tile_overlayer_lowered;
	s6 =	simm.s32 $_tile_overlayer_lowered  }
0x9b: {  	s22 =	simm.s32 $0x1BFF;
	s21 =	sshll.u32 s6, $0x1;
	s3 =	sadd.s32 s4, s19  }
0x9c: {  	s7 =	simm.s32 $0x0;
	s20 =	sshll.u32 s5, $0x1;
	s5 =	sadd.s32 s21, s3  }
0x9d: {  	[timem:s7], [sflag:s22] =	dma.local [hbm:s5], s20  }
0x9e: {  	_ =	swait.ge [sflag:s22], s20  }
0x9f: {  	s4 =	ssub.s32 $0x0, s20;
	[sflag:s22] =	ssyncset.done $0x0  }
0xa0: {  	[sflag:s22] =	ssyncadd.s32 s4;
	_ =	sdelay $0x1  }
0xa1: {  	s23 =	simm.s32 $0x1B8B  }
0xa2: {  	_ =	swait.ge [sflag:s23], $0x1  }
0xa3: {  	[sflag:s23] =	ssyncset.done $0x0  }
0xa4: {  	s25 =	simm.s32 $0x1B8E;
	s24 =	sld [smem:$0x3FFE];
	[sflag:s23] =	ssyncadd.s32 $0xFFFFFFFF  }
0xa5: {  	s26 =	simm.s32 $execute0_lowered;
	[smem:$0x3FD2] =	sst s25  }
0xa6: {  	s5 =	sshll.u32 s26, $0x1;
	_ =	strace $0x80000046;
	[dreg:$0x1] =	wrdreg $0xFFFFFFFF  }
0xa7: {  	s28 =	simm.s32 $_size_execute0_lowered;
	s3 =	sadd.s32 s3, s5;
	[dreg:$0x0] =	wrdreg $0x0  }
0xa8: {  	s5 =	sshll.u32 s28, $0x1;
	[dreg:$0x2] =	wrdreg s3  }
0xa9: {  	[dreg:$0x3] =	wrdreg s5  }
0xaa: {  	[dreg:$0x4] =	wrdreg $0xC0  }
0xab: {  	_ =	task [dreg:s7], $0x5FFFF  }
0xac: {  	[dreg:$0x1] =	wrdreg $0xFFFFFFFF  }
0xad: {  	[dreg:$0x0] =	wrdreg $0x60  }
0xae: {  	[dreg:$0x2] =	wrdreg s2  }
0xaf: {  	[dreg:$0x3] =	wrdreg s24  }
0xb0: {  	[dreg:$0x4] =	wrdreg $0x9  }
0xb1: {  	_ =	task.clear_ibuf [dreg:s7], $0x5FFFF;
	_ =	strace $0x90000046  }
0xb2: {  	s29 =	simm.s32 $0x9;
	_ =	strace $0x80000048  }
0xb3: {  	_ =	swait.ge [sflag:s29], $0x1  }
0xb4: {  	[sflag:s29] =	ssyncadd.s32 $0xFFFFFFFF  }
0xb5: {  	_ =	strace $0x90000048  }
0xb6: {  	_ =	sfence  }
0xb7: {  	s30 =	sld [smem:$0x0];
	_ =	sdelay $0x2  }
0xb8: {  	s31 =	sshll.u32 s1, $0xD;
	s1 =	sshrl.u32 s1, $0x2  }
0xb9: {  	s3 =	sand.u32 $0x4000, s31;
	s1 =	sadd.s32 s1, s30  }
0xba: {  	s0 =	sor.u32 s3, s0;
	s1 =	sshll.u32 s1, $0x11  }
0xbb: {  	s0 =	sor.u32 s1, s0  }
0xbc: {  	s0 =	sadd.s32 $0x8F2B, s0  }
0xbd: {  	[sflag:s0] =	ssyncadd.remote.s32 $0x1  }
0xbe: {  	_ =	sfence.sel $0xFFFF  }
0xbf: {  	[dreg:$0x0] =	wrdreg $0xFFFFFFFF;
	(pc) =	sbr.abs _section_cstart, $3  }
0xc0: {  	[dreg:$0x1] =	wrdreg $0xFFFFFFFF  }
0xc1: {  	_ =	task.clear_ibuf [dreg:s7], $0x2FFFF;
	_ =	strace $0x9FFFFFFF  }
0xc2: {  	(tm) =	ssettm $0x7FFFFFFF  }
0xc3: {  	_ =	shalt  }
tec
execute0_lowered:
.L_overlay_start_1:
0x0: {  	(tag) =	ssettag $0x1  }
0x1: {  	s1 =	rddreg [dreg:$0x0]  }
0x2: {  	s4 =	rddreg [dreg:$0x1]  }
0x3: {  	s0 =	rddreg [dreg:$0x2];
	s3 =	simm.s32 $0x0  }
0x4: {  	s5 =	srdreg.scid;
	s2 =	stileid.u32;
	s10 =	simm.s32 $0x5000  }
0x5: {  	s11 =	simm.s32 $0x5800;
	s12 =	simm.s32 $0x6000;
	s13 =	simm.s32 $0x1  }
0x6: {  	s14 =	simm.s32 $0x0;
	[smem:$0x7FF] =	sst s3;
	s5 =	sand.u32 $0x1, s5  }
0x7: {  	s6 =	sshll.u32 s2, $0xB;
	s9 =	smul.u32 $0x27100, s2;
	_ =	strace $0x80000047  }
0x8: {  	s7 =	sshll.u32 s5, $0xF;
	s8 =	smul.u32 $0x271000, s5;
	s5 =	ssub.s32 $0x2, s5  }
0x9: {  	s6 =	sor.u32 s6, s7;
	s30 =	sshrl.u32 s5, $0x1;
	s7 =	simm.s32 $0x2  }
0xa: {  	v2 =	vlaneseq.u32;
	s6 =	sadd.s32 s6, s4;
	s8 =	sadd.s32 s8, s4;
	s5 =	ssub.s32 s5, s30  }
0xb: {  	vm0 =	vmmov $0xffff;
	v1 =	vshrl.u32 v2, $0x3;
	s4 =	sadd.s32 $0xAC00, s6;
	s5 =	smax.u32 s5, $0x1;
	s31 =	sadd.s32 s9, s8  }
0xc: {  	v0 =	vand.u32 $0x7, v2;
	v2 =	vor.u32 $0x8, v2;
	v1 =	vmul.u32 $0x8, v1;
	s8 =	simm.s32 $0x4000;
	s9 =	simm.s32 $0x4800;
	s6 =	sadd.s32 $0x1AC00, s31  }
.LBB2_1:
0xd: {  	[tilespmem:s3], [sflag:$0x2] =	stream.linear.gather [hbm4b:s4+s3], $0x3E80, $0x38;
	[tilespmem:$0x6800] =	vst v63  }
0xe: {  	_ =	swait.ge [sflag:s7], $0x3E80  }
0xf: {  	[sflag:s7] =	ssyncset.done $0x0  }
0x10: {  	s15 =	simm.s32 $0x20;
	s16 =	simm.s32 $0x0;
	[sflag:s7] =	ssyncadd.s32 $0xFFFFC180  }
.LBB2_2:
0x11: {  	v3 =	vld [tilespmem:s15+$0xFFFFFFE0];
	_ =	sdelay $0x4  }
0x12: {  	v4 =	vshll.u32 v3, $0x1  }
0x13: {  	v3 =	vand.u32 $0x7, v3;
	v4 =	vand.u32 $0xFFFFFFF0, v4  }
0x14: {  	v3 =	vor.u32 v3, v4  }
0x15: {  	v4 =	vperm.xlane v3, v0;
	_ =	sdelay $0x1  }
0x16: {  	v3 =	vperm.xlane v3, v2;
	v4 =	vadd.s32 v1, v4;
	_ =	sdelay $0x1  }
0x17: {  	v3 =	vadd.s32 v1, v3;
	_ =	sdelay $0x2  }
0x18: {  	[tilespmem:s8], [sflag:$0x1] =	stream.indirect_vreg.gather [hbm4b:s1+s3], $0x80, v4, vm0, $0xb8;
	[tilespmem:$0x6800] =	vst v63  }
0x19: {  	_ = 	snop  }
0x1a: {  	[tilespmem:s9], [sflag:$0x1] =	stream.indirect_vreg.gather [hbm4b:s1+s3], $0x80, v3, vm0, $0xb8;
	[tilespmem:$0x6800] =	vst v63  }
0x1b: {  	v3 =	vld [tilespmem:s15+$0xFFFFFFF0];
	_ =	sdelay $0x4  }
0x1c: {  	v62 =	vshll.u32 v3, $0x1  }
0x1d: {  	v3 =	vand.u32 $0x7, v3;
	v4 =	vand.u32 $0xFFFFFFF0, v62  }
0x1e: {  	v3 =	vor.u32 v3, v4  }
0x1f: {  	v4 =	vperm.xlane v3, v0;
	_ =	sdelay $0x1  }
0x20: {  	v3 =	vperm.xlane v3, v2;
	v4 =	vadd.s32 v1, v4;
	_ =	sdelay $0x1  }
0x21: {  	v3 =	vadd.s32 v1, v3;
	_ =	sdelay $0x2  }
0x22: {  	[tilespmem:s10], [sflag:$0x1] =	stream.indirect_vreg.gather [hbm4b:s1+s3], $0x80, v4, vm0, $0xb8;
	[tilespmem:$0x6800] =	vst v63  }
0x23: {  	_ = 	snop  }
0x24: {  	[tilespmem:s11], [sflag:$0x1] =	stream.indirect_vreg.gather [hbm4b:s1+s3], $0x80, v3, vm0, $0xb8;
	[tilespmem:$0x6800] =	vst v63  }
0x25: {  	v3 =	vld.msk [tilespmem:s15+$0x0], $0xff;
	_ =	sdelay $0x4  }
0x26: {  	v63 =	vshll.u32 v3, $0x1  }
0x27: {  	v3 =	vand.u32 $0x7, v3;
	v4 =	vand.u32 $0xFFFFFFF0, v63  }
0x28: {  	v3 =	vor.u32 v3, v4  }
0x29: {  	v3 =	vperm.xlane v3, v0;
	_ =	sdelay $0x1  }
0x2a: {  	v3 =	vadd.s32 v1, v3;
	_ =	sdelay $0x4  }
0x2b: {  	[tilespmem:s12], [sflag:$0x1] =	stream.indirect_vreg.gather [hbm4b:s1+s3], $0x80, v3, vm0, $0xb8;
	[tilespmem:$0x6800] =	vst v63  }
0x2c: {  	_ =	swait.ge [sflag:s13], $0x2800  }
0x2d: {  	p0 =	sne.s32 s16, $0x26C00;
	[sflag:s13] =	ssyncset.done $0x0  }
.Ltmp0:
0x2e: {  	s17 =	sadd.s32 s16, s6;
	[sflag:s13] =	ssyncadd.s32 $0xFFFFD800;
	(pc) =	sbr.rel @p0 .LBB2_2-.Ltmp0, $4  }
0x2f: {  	[hbm4b:s17+s3] =	stream.linear.scatter [tilespmem:s8], [sflag:$0x2], $0x2800, $0x38;
	[tilespmem:$0x6800] =	vst v63  }
0x30: {  	_ =	swait.ge [sflag:s7], $0x2800  }
0x31: {  	[sflag:s7] =	ssyncset.done $0x0  }
0x32: {  	s16 =	sadd.s32 $0x500, s16;
	s15 =	sadd.s32 $0x80, s15;
	[sflag:s7] =	ssyncadd.s32 $0xFFFFD800  }
0x33: {  	s14 =	sadd.s32 $0x1, s14  }
0x34: {  	p0 =	sne.s32 s14, s5  }
.Ltmp1:
0x35: {  	_ = 	snop;
	(pc) =	sbr.rel @p0 .LBB2_1-.Ltmp1, $1  }
0x36: {  	_ =	sdelay $0x3  }
0x37: {  	_ =	sfence.sel $0x180000  }
0x38: {  	[bflag:$0x0] =	sbarrier.arrive $0xFFFF  }
0x39: {  	p0 =	sne.s32 s2, $0x0;
	_ =	strace $0x90000047  }
0x3a: {  	s0 =	sadd.s32 @!p0 $0x100000, s0;
	[bflag:$0x2] =	sbarrier.arrive $0xFFFF  }
0x3b: {  	[sflag:s0] =	ssyncadd.tile.s32 @!p0 $0x1;
	_ =	shalt  }
.Lfunc_end2:
_tile_overlayer_lowered:
.L_overlay_start_2:
0x3c: {  	(tag) =	ssettag $0x2  }
0x3d: {  	s0 =	rddreg [dreg:$0x0];
	s2 =	stileid.u32  }
0x3e: {  	s1 =	rddreg [dreg:$0x1];
	p0 =	sne.s32 s2, $0x0  }
0x3f: {  	s3 =	rddreg [dreg:$0x2];
	[bflag:$0x3] =	sbarrier.arrive $0xFFFF;
	s2 =	simm.s32 @!p0 $0x1C02  }
0x40: {  	[timem:s3], [sflag:s2] =	dma.local @!p0 [hbm:s0], s1  }
0x41: {  	s0 =	simm.s32 @!p0 $0x2  }
0x42: {  	_ =	swait.ge @!p0 [sflag:s0], s1  }
0x43: {  	s1 =	ssub.s32 @!p0 $0x0, s1;
	[sflag:s0] =	ssyncset.done @!p0 $0x0  }
0x44: {  	[sflag:s0] =	ssyncadd.s32 @!p0 s1  }
0x45: {  	[bflag:$0x3] =	sbarrier.arrive $0xFFFF  }
0x46: {  	_ =	shalt  }

</sc_bundles>
